<compile_context>
chip_gen: v7x
topology: tpu7x:2x2x1
jax: 0.10.2.dev20260603
libtpu: 0.0.44.dev20260713+nightly
codegen_flags: <defaults>
</compile_context>

<pallas_src>
import functools

import jax
import jax.numpy as jnp
from jax import lax
from jax.experimental import pallas as pl
from jax.experimental.pallas import tpu as pltpu
from jax.experimental.pallas import tpu_sc as plsc

N_NODES = 10000
D = 128
NC = 2
NS = 16
NW = NC * NS
N_PAD = 10240


def _sc_degree(dst3, ones_c, zeros_r):
    _, M, C = dst3.shape
    rpt = N_PAD // NS

    mesh = plsc.VectorSubcoreMesh(core_axis_name="c", subcore_axis_name="s")

    @functools.partial(
        pl.kernel,
        out_type=jax.ShapeDtypeStruct((NC, N_PAD), jnp.float32),
        mesh=mesh,
        scratch_types=[
            pltpu.VMEM((M, C), jnp.int32),
            pltpu.VMEM((C,), jnp.float32),
            pltpu.VMEM_SHARED((N_PAD,), jnp.float32),
        ],
    )
    def deg_kernel(dst_hbm, ones_hbm, zeros_hbm, out_hbm, idx_v, ones_v,
                   hist_s):
        cid = lax.axis_index("c")
        sid = lax.axis_index("s")
        wid = sid * NC + cid

        pltpu.sync_copy(ones_hbm, ones_v)
        pltpu.sync_copy(dst_hbm.at[wid], idx_v)
        pltpu.sync_copy(zeros_hbm, hist_s.at[pl.ds(sid * rpt, rpt)])
        plsc.subcore_barrier()

        def scatter_chunk(j, _):
            pltpu.sync_copy(ones_v, hist_s.at[idx_v.at[j]], add=True)
            return 0

        lax.fori_loop(0, M, scatter_chunk, 0)
        plsc.subcore_barrier()
        pltpu.sync_copy(hist_s.at[pl.ds(sid * rpt, rpt)],
                        out_hbm.at[cid, pl.ds(sid * rpt, rpt)])

    return deg_kernel(dst3, ones_c, zeros_r)


def _sc_scatter(g, src4, dst4, zeros_rd):
    _, NSTAGE, MB, C = src4.shape
    NB = 2
    rpt = N_PAD // NS
    zrows = 32

    mesh = plsc.VectorSubcoreMesh(core_axis_name="c", subcore_axis_name="s")

    @functools.partial(
        pl.kernel,
        out_type=jax.ShapeDtypeStruct((NC, N_PAD, D), jnp.float32),
        mesh=mesh,
        scratch_types=[
            pltpu.VMEM((MB, C), jnp.int32),
            pltpu.VMEM((MB, C), jnp.int32),
            pltpu.VMEM((NB, C, D), jnp.float32),
            pltpu.VMEM((zrows, D), jnp.float32),
            pltpu.VMEM_SHARED((N_PAD, D), jnp.float32),
            [pltpu.SemaphoreType.DMA] * NB,
            [pltpu.SemaphoreType.DMA] * NB,
        ],
    )
    def scat_kernel(g_hbm, src_hbm, dst_hbm, zeros_hbm, out_hbm,
                    sidx_v, didx_v, buf_v, zb_v, acc_s, semg, sems):
        cid = lax.axis_index("c")
        sid = lax.axis_index("s")
        wid = sid * NC + cid

        pltpu.sync_copy(zeros_hbm, zb_v)

        def zero_acc(r, _):
            pltpu.sync_copy(zb_v, acc_s.at[pl.ds(sid * rpt + r * zrows, zrows)])
            return 0

        lax.fori_loop(0, rpt // zrows, zero_acc, 0)
        plsc.subcore_barrier()

        def fire_g(j, q):
            pltpu.async_copy(g_hbm.at[sidx_v.at[j]], buf_v.at[q], semg[q])

        def wait_g(q):
            pltpu.make_async_copy(g_hbm.at[sidx_v.at[0]], buf_v.at[q],
                                  semg[q]).wait()

        def fire_s(j, q):
            pltpu.async_copy(buf_v.at[q], acc_s.at[didx_v.at[j]], sems[q],
                             add=True)

        def wait_s(q):
            pltpu.make_async_copy(buf_v.at[q], acc_s.at[didx_v.at[0]],
                                  sems[q]).wait()

        def stage(r, _):
            pltpu.sync_copy(src_hbm.at[wid, r], sidx_v)
            pltpu.sync_copy(dst_hbm.at[wid, r], didx_v)
            fire_g(0, 0)

            def pair(p, _):
                for q in range(NB):
                    j = NB * p + q
                    wait_g(q)
                    fire_s(j, q)

                    @pl.when(j + 1 < MB)
                    def _():
                        @pl.when(j >= 1)
                        def _():
                            wait_s(1 - q)

                        fire_g(j + 1, 1 - q)
                return 0

            lax.fori_loop(0, MB // NB, pair, 0)
            wait_s(0)
            wait_s(1)
            return 0

        lax.fori_loop(0, NSTAGE, stage, 0)
        plsc.subcore_barrier()
        pltpu.sync_copy(acc_s.at[pl.ds(sid * rpt, rpt)],
                        out_hbm.at[cid, pl.ds(sid * rpt, rpt)])

    return scat_kernel(g, src4, dst4, zeros_rd)


def _tc_matmul(x, W):
    n = x.shape[0]
    blk = 2000

    def body(x_ref, w_ref, h_ref):
        h_ref[...] = jnp.dot(x_ref[...], w_ref[...],
                             preferred_element_type=jnp.float32)

    return pl.pallas_call(
        body,
        grid=(n // blk,),
        in_specs=[
            pl.BlockSpec((blk, D), lambda i: (i, 0)),
            pl.BlockSpec((D, D), lambda i: (0, 0)),
        ],
        out_specs=pl.BlockSpec((blk, D), lambda i: (i, 0)),
        out_shape=jax.ShapeDtypeStruct((n, D), jnp.float32),
    )(x, W)


def _tc_scale(h, deg_b):
    n = h.shape[0]
    blk = 2000

    def body(h_ref, d_ref, g_ref):
        g_ref[...] = h_ref[...] * lax.rsqrt(d_ref[...])

    return pl.pallas_call(
        body,
        grid=(n // blk,),
        in_specs=[
            pl.BlockSpec((blk, D), lambda i: (i, 0)),
            pl.BlockSpec((blk, D), lambda i: (i, 0)),
        ],
        out_specs=pl.BlockSpec((blk, D), lambda i: (i, 0)),
        out_shape=jax.ShapeDtypeStruct((n, D), jnp.float32),
    )(h, deg_b)


def _tc_final(deg_b, acc, g, b):
    n = g.shape[0]
    blk = 2000

    def body(d_ref, a_ref, g_ref, b_ref, o_ref):
        dinv = lax.rsqrt(d_ref[...])
        o_ref[...] = dinv * (a_ref[0] + a_ref[1] + g_ref[...]) + b_ref[...]

    return pl.pallas_call(
        body,
        grid=(n // blk,),
        in_specs=[
            pl.BlockSpec((blk, D), lambda i: (i, 0)),
            pl.BlockSpec((NC, blk, D), lambda i: (0, i, 0)),
            pl.BlockSpec((blk, D), lambda i: (i, 0)),
            pl.BlockSpec((1, D), lambda i: (0, 0)),
        ],
        out_specs=pl.BlockSpec((blk, D), lambda i: (i, 0)),
        out_shape=jax.ShapeDtypeStruct((n, D), jnp.float32),
    )(deg_b, acc, g, b)


def kernel(x, edge_index, node_type, edge_type, W, b):
    n, d = x.shape
    e = edge_index.shape[1]
    ept = e // NW
    C = 80
    M = ept // C
    CM = 125
    MB = 8
    NSTAGE = ept // (MB * CM)

    src = edge_index[0].astype(jnp.int32)
    dst = edge_index[1].astype(jnp.int32)
    dst3 = dst.reshape(NW, M, C)
    src4 = src.reshape(NW, NSTAGE, MB, CM)
    dst4 = dst.reshape(NW, NSTAGE, MB, CM)

    rpt = N_PAD // NS
    ones_c = jnp.ones((C,), jnp.float32)
    zeros_r = jnp.zeros((rpt,), jnp.float32)
    zeros_rd = jnp.zeros((32, d), jnp.float32)

    h = _tc_matmul(x, W)
    degp = _sc_degree(dst3, ones_c, zeros_r)
    deg = degp[0, :n] + degp[1, :n] + 1.0
    deg_b = jnp.broadcast_to(deg[:, None], (n, d))

    g = _tc_scale(h, deg_b)
    acc = _sc_scatter(g, src4, dst4, zeros_rd)
    out = _tc_final(deg_b, acc, g, b[None, :])
    return out

# --- scband reference (transcript-rebuilt; emitter-appended) ---
"""Pipeline reference for scband-general-conv-8151847927960 (READ-ONLY COPY).

The authoritative reference and input builder live on the scoring server;
editing this copy changes nothing except your own understanding.
"""

import jax, jax.numpy as jnp
import numpy as np

N_NODES = 10000
N_EDGES = 320000
D_IN = 128
D_OUT = 128


def setup_inputs(seed: int = 0) -> dict:
    key = jax.random.key(seed)
    k_x, k_ei, k_nt, k_et, k_w, k_b = jax.random.split(key, 6)
    x = jax.random.normal(k_x, (N_NODES, D_IN), dtype=jnp.float32)
    edge_index = jax.random.randint(k_ei, (2, N_EDGES), 0, N_NODES, dtype=jnp.int64)
    node_type = jax.random.randint(k_nt, (N_NODES,), 0, 1, dtype=jnp.int64)
    edge_type = jax.random.randint(k_et, (N_EDGES,), 0, 1, dtype=jnp.int64)
    # GCNConv parameters: lin.weight [out, in] applied as x @ W^T; store W as [in, out]
    W = jax.random.normal(k_w, (D_IN, D_OUT), dtype=jnp.float32) * (1.0 / np.sqrt(D_IN))
    b = jnp.zeros((D_OUT,), dtype=jnp.float32)
    return {"x": x, "edge_index": edge_index, "node_type": node_type, "edge_type": edge_type, "W": W, "b": b}


def reference(x, edge_index, node_type, edge_type, W, b):
    # GeneralConv with conv_name='gcn' -> GCNConv(in_hid, out_hid)(x, edge_index)
    N = x.shape[0]
    src = edge_index[0]
    dst = edge_index[1]
    # add self-loops (GCNConv default add_self_loops=True)
    loop = jnp.arange(N, dtype=src.dtype)
    src = jnp.concatenate([src, loop])
    dst = jnp.concatenate([dst, loop])
    # symmetric normalization: deg computed on destination (col) with unit edge weights
    ones = jnp.ones_like(dst, dtype=x.dtype)
    deg = jax.ops.segment_sum(ones, dst, num_segments=N)
    deg_inv_sqrt = jnp.where(deg > 0, 1.0 / jnp.sqrt(deg), 0.0)
    norm = deg_inv_sqrt[src] * deg_inv_sqrt[dst]
    # linear transform then propagate (sum aggregation over destination nodes)
    h = x @ W
    msg = jnp.take(h, src, axis=0) * norm[:, None]
    out = jax.ops.segment_sum(msg, dst, num_segments=N)
    out = out + b
    return out

if __name__ == "__main__":
    import jax
    _d = setup_inputs()
    print(jax.jit(kernel)(*tuple(_d.values())))

</pallas_src>

<mosaic_0001>
#map = affine_map<(d0, d1) -> (0, 0)>
#map1 = affine_map<(d0, d1) -> (0, 0, 0, 0)>
#map2 = affine_map<(d0, d1) -> (0, 0, 0)>
module attributes {stable_mosaic.version = 14 : i64} {
  func.func @scat_kernel(%arg0: i32, %arg1: i32, %arg2: memref<10000x128xf32, #tpu.memory_space<hbm>>, %arg3: memref<32x10x8x125xi32, #tpu.memory_space<hbm>>, %arg4: memref<32x10x8x125xi32, #tpu.memory_space<hbm>>, %arg5: memref<32x128xf32, #tpu.memory_space<hbm>>, %arg6: memref<2x10240x128xf32, #tpu.memory_space<hbm>>, %arg7: memref<8x125xi32, #tpu.memory_space<vmem>>, %arg8: memref<8x125xi32, #tpu.memory_space<vmem>>, %arg9: memref<2x125x128xf32, #tpu.memory_space<vmem>>, %arg10: memref<32x128xf32, #tpu.memory_space<vmem>>, %arg11: memref<10240x128xf32, #tpu.memory_space<vmem_shared>>, %arg12: memref<!tpu.dma_semaphore, #tpu.memory_space<semaphore_mem>>, %arg13: memref<!tpu.dma_semaphore, #tpu.memory_space<semaphore_mem>>, %arg14: memref<!tpu.dma_semaphore, #tpu.memory_space<semaphore_mem>>, %arg15: memref<!tpu.dma_semaphore, #tpu.memory_space<semaphore_mem>>) attributes {dimension_semantics = [#tpu.dimension_semantics<core_parallel>, #tpu.dimension_semantics<subcore_parallel>], iteration_bounds = array<i64: 2, 16>, scalar_prefetch = 0 : i64, scratch_operands = 9 : i64, tpu.core_type = #tpu.core_type<sc_vector_subcore>, window_params = [{transform_indices = #map}, {transform_indices = #map1}, {transform_indices = #map1}, {transform_indices = #map}, {transform_indices = #map2}]} {
    %mul3A = arith.constant 2 : i32
    %mul3A_0 = arith.muli %arg1, %mul3A : i32
    %add3A = arith.addi %mul3A_0, %arg0 : i32
    "tpu.region"() ({
      %run_scoped3A = tpu.sem_alloc : memref<!tpu.dma_semaphore, #tpu.memory_space<semaphore_mem>>
      tpu.enqueue_dma source(%arg5 : memref<32x128xf32, #tpu.memory_space<hbm>>) target(%arg10 : memref<32x128xf32, #tpu.memory_space<vmem>>) target_semaphore(%run_scoped3A : memref<!tpu.dma_semaphore, #tpu.memory_space<semaphore_mem>>)
      tpu.wait_dma2 semaphore(%run_scoped3A : memref<!tpu.dma_semaphore, #tpu.memory_space<semaphore_mem>>) src(%arg5 : memref<32x128xf32, #tpu.memory_space<hbm>>) dst(%arg10 : memref<32x128xf32, #tpu.memory_space<vmem>>)
      tpu.yield
    }) : () -> ()
    %scan3A = arith.constant 0 : i32
    %scan3A_1 = arith.constant 0 : i32
    %scan3A_2 = arith.constant 20 : i32
    %scan3A_3 = arith.addi %scan3A_1, %scan3A_2 : i32
    %scan3A_4 = arith.constant 1 : i32
    %scan3A_5 = scf.for %scan3A_19 = %scan3A_1 to %scan3A_3 step %scan3A_4 iter_args(%scan3A_20 = %scan3A) -> (i32)  : i32 {
      %mul3A_21 = arith.constant 640 : i32
      %mul3A_22 = arith.muli %arg1, %mul3A_21 : i32
      %mul3A_23 = arith.constant 32 : i32
      %mul3A_24 = arith.muli %scan3A_19, %mul3A_23 : i32
      %add3A_25 = arith.addi %mul3A_22, %mul3A_24 : i32
      "tpu.region"() ({
        %run_scoped3A = tpu.sem_alloc : memref<!tpu.dma_semaphore, #tpu.memory_space<semaphore_mem>>
        %dma_start3A = arith.constant 0 : i32
        %dma_start3A_27 = tpu.memref_slice %arg11[%add3A_25, %dma_start3A] : memref<10240x128xf32, #tpu.memory_space<vmem_shared>> -> memref<32x128xf32, #tpu.memory_space<vmem_shared>>
        %dma_start3A_28 = arith.constant 0 : i32
        %dma_start3A_29 = tpu.memref_slice %arg11[%add3A_25, %dma_start3A_28] : memref<10240x128xf32, #tpu.memory_space<vmem_shared>> -> memref<32x128xf32, #tpu.memory_space<vmem_shared>>
        tpu.enqueue_dma source(%arg10 : memref<32x128xf32, #tpu.memory_space<vmem>>) target(%dma_start3A_29 : memref<32x128xf32, #tpu.memory_space<vmem_shared>>) target_semaphore(%run_scoped3A : memref<!tpu.dma_semaphore, #tpu.memory_space<semaphore_mem>>)
        %dma_wait3A = arith.constant 0 : i32
        %dma_wait3A_30 = tpu.memref_slice %arg11[%add3A_25, %dma_wait3A] : memref<10240x128xf32, #tpu.memory_space<vmem_shared>> -> memref<32x128xf32, #tpu.memory_space<vmem_shared>>
        %dma_wait3A_31 = arith.constant 0 : i32
        %dma_wait3A_32 = tpu.memref_slice %arg11[%add3A_25, %dma_wait3A_31] : memref<10240x128xf32, #tpu.memory_space<vmem_shared>> -> memref<32x128xf32, #tpu.memory_space<vmem_shared>>
        tpu.wait_dma2 semaphore(%run_scoped3A : memref<!tpu.dma_semaphore, #tpu.memory_space<semaphore_mem>>) src(%arg10 : memref<32x128xf32, #tpu.memory_space<vmem>>) dst(%dma_wait3A_32 : memref<32x128xf32, #tpu.memory_space<vmem_shared>>)
        tpu.yield
      }) : () -> ()
      %scan3A_26 = arith.constant 0 : i32
      scf.yield %scan3A_26 : i32
    }
    %scan3A_6 = arith.constant 20 : i32
    %barrier3A = arith.constant 0 : index
    tpu.barrier barrier_id(%barrier3A)
    %scan3A_7 = arith.constant 0 : i32
    %scan3A_8 = arith.constant 0 : i32
    %scan3A_9 = arith.constant 10 : i32
    %scan3A_10 = arith.addi %scan3A_8, %scan3A_9 : i32
    %scan3A_11 = arith.constant 1 : i32
    %scan3A_12 = scf.for %scan3A_19 = %scan3A_8 to %scan3A_10 step %scan3A_11 iter_args(%scan3A_20 = %scan3A_7) -> (i32)  : i32 {
      "tpu.region"() ({
        %run_scoped3A = tpu.sem_alloc : memref<!tpu.dma_semaphore, #tpu.memory_space<semaphore_mem>>
        %dma_start3A_63 = arith.constant 0 : i32
        %dma_start3A_64 = arith.constant 0 : i32
        %dma_start3A_65 = tpu.memref_slice %arg3[%add3A, %scan3A_19, %dma_start3A_63, %dma_start3A_64] : memref<32x10x8x125xi32, #tpu.memory_space<hbm>> -> memref<1x1x8x125xi32, #tpu.memory_space<hbm>>
        %dma_start3A_66 = tpu.memref_squeeze %dma_start3A_65 : memref<1x1x8x125xi32, #tpu.memory_space<hbm>> -> memref<8x125xi32, #tpu.memory_space<hbm>>
        %dma_start3A_67 = arith.constant 0 : i32
        %dma_start3A_68 = arith.constant 0 : i32
        %dma_start3A_69 = tpu.memref_slice %arg3[%add3A, %scan3A_19, %dma_start3A_67, %dma_start3A_68] : memref<32x10x8x125xi32, #tpu.memory_space<hbm>> -> memref<1x1x8x125xi32, #tpu.memory_space<hbm>>
        %dma_start3A_70 = tpu.memref_squeeze %dma_start3A_69 : memref<1x1x8x125xi32, #tpu.memory_space<hbm>> -> memref<8x125xi32, #tpu.memory_space<hbm>>
        tpu.enqueue_dma source(%dma_start3A_70 : memref<8x125xi32, #tpu.memory_space<hbm>>) target(%arg7 : memref<8x125xi32, #tpu.memory_space<vmem>>) target_semaphore(%run_scoped3A : memref<!tpu.dma_semaphore, #tpu.memory_space<semaphore_mem>>)
        %dma_wait3A_71 = arith.constant 0 : i32
        %dma_wait3A_72 = arith.constant 0 : i32
        %dma_wait3A_73 = tpu.memref_slice %arg3[%add3A, %scan3A_19, %dma_wait3A_71, %dma_wait3A_72] : memref<32x10x8x125xi32, #tpu.memory_space<hbm>> -> memref<1x1x8x125xi32, #tpu.memory_space<hbm>>
        %dma_wait3A_74 = tpu.memref_squeeze %dma_wait3A_73 : memref<1x1x8x125xi32, #tpu.memory_space<hbm>> -> memref<8x125xi32, #tpu.memory_space<hbm>>
        %dma_wait3A_75 = arith.constant 0 : i32
        %dma_wait3A_76 = arith.constant 0 : i32
        %dma_wait3A_77 = tpu.memref_slice %arg3[%add3A, %scan3A_19, %dma_wait3A_75, %dma_wait3A_76] : memref<32x10x8x125xi32, #tpu.memory_space<hbm>> -> memref<1x1x8x125xi32, #tpu.memory_space<hbm>>
        %dma_wait3A_78 = tpu.memref_squeeze %dma_wait3A_77 : memref<1x1x8x125xi32, #tpu.memory_space<hbm>> -> memref<8x125xi32, #tpu.memory_space<hbm>>
        tpu.wait_dma2 semaphore(%run_scoped3A : memref<!tpu.dma_semaphore, #tpu.memory_space<semaphore_mem>>) src(%dma_wait3A_78 : memref<8x125xi32, #tpu.memory_space<hbm>>) dst(%arg7 : memref<8x125xi32, #tpu.memory_space<vmem>>)
        tpu.yield
      }) : () -> ()
      "tpu.region"() ({
        %run_scoped3A = tpu.sem_alloc : memref<!tpu.dma_semaphore, #tpu.memory_space<semaphore_mem>>
        %dma_start3A_63 = arith.constant 0 : i32
        %dma_start3A_64 = arith.constant 0 : i32
        %dma_start3A_65 = tpu.memref_slice %arg4[%add3A, %scan3A_19, %dma_start3A_63, %dma_start3A_64] : memref<32x10x8x125xi32, #tpu.memory_space<hbm>> -> memref<1x1x8x125xi32, #tpu.memory_space<hbm>>
        %dma_start3A_66 = tpu.memref_squeeze %dma_start3A_65 : memref<1x1x8x125xi32, #tpu.memory_space<hbm>> -> memref<8x125xi32, #tpu.memory_space<hbm>>
        %dma_start3A_67 = arith.constant 0 : i32
        %dma_start3A_68 = arith.constant 0 : i32
        %dma_start3A_69 = tpu.memref_slice %arg4[%add3A, %scan3A_19, %dma_start3A_67, %dma_start3A_68] : memref<32x10x8x125xi32, #tpu.memory_space<hbm>> -> memref<1x1x8x125xi32, #tpu.memory_space<hbm>>
        %dma_start3A_70 = tpu.memref_squeeze %dma_start3A_69 : memref<1x1x8x125xi32, #tpu.memory_space<hbm>> -> memref<8x125xi32, #tpu.memory_space<hbm>>
        tpu.enqueue_dma source(%dma_start3A_70 : memref<8x125xi32, #tpu.memory_space<hbm>>) target(%arg8 : memref<8x125xi32, #tpu.memory_space<vmem>>) target_semaphore(%run_scoped3A : memref<!tpu.dma_semaphore, #tpu.memory_space<semaphore_mem>>)
        %dma_wait3A_71 = arith.constant 0 : i32
        %dma_wait3A_72 = arith.constant 0 : i32
        %dma_wait3A_73 = tpu.memref_slice %arg4[%add3A, %scan3A_19, %dma_wait3A_71, %dma_wait3A_72] : memref<32x10x8x125xi32, #tpu.memory_space<hbm>> -> memref<1x1x8x125xi32, #tpu.memory_space<hbm>>
        %dma_wait3A_74 = tpu.memref_squeeze %dma_wait3A_73 : memref<1x1x8x125xi32, #tpu.memory_space<hbm>> -> memref<8x125xi32, #tpu.memory_space<hbm>>
        %dma_wait3A_75 = arith.constant 0 : i32
        %dma_wait3A_76 = arith.constant 0 : i32
        %dma_wait3A_77 = tpu.memref_slice %arg4[%add3A, %scan3A_19, %dma_wait3A_75, %dma_wait3A_76] : memref<32x10x8x125xi32, #tpu.memory_space<hbm>> -> memref<1x1x8x125xi32, #tpu.memory_space<hbm>>
        %dma_wait3A_78 = tpu.memref_squeeze %dma_wait3A_77 : memref<1x1x8x125xi32, #tpu.memory_space<hbm>> -> memref<8x125xi32, #tpu.memory_space<hbm>>
        tpu.wait_dma2 semaphore(%run_scoped3A : memref<!tpu.dma_semaphore, #tpu.memory_space<semaphore_mem>>) src(%dma_wait3A_78 : memref<8x125xi32, #tpu.memory_space<hbm>>) dst(%arg8 : memref<8x125xi32, #tpu.memory_space<vmem>>)
        tpu.yield
      }) : () -> ()
      %dma_start3A = arith.constant 0 : i32
      %dma_start3A_21 = arith.constant 0 : i32
      %dma_start3A_22 = arith.constant 0 : i32
      %dma_start3A_23 = arith.constant 0 : i32
      %dma_start3A_24 = tpu.memref_slice %arg9[%dma_start3A_21, %dma_start3A_22, %dma_start3A_23] : memref<2x125x128xf32, #tpu.memory_space<vmem>> -> memref<1x125x128xf32, #tpu.memory_space<vmem>>
      %dma_start3A_25 = tpu.memref_squeeze %dma_start3A_24 : memref<1x125x128xf32, #tpu.memory_space<vmem>> -> memref<125x128xf32, #tpu.memory_space<vmem>>
      %dma_start3A_26 = arith.constant 0 : i32
      %dma_start3A_27 = tpu.memref_slice %arg7[%dma_start3A, %dma_start3A_26] : memref<8x125xi32, #tpu.memory_space<vmem>> -> memref<1x125xi32, #tpu.memory_space<vmem>>
      %dma_start3A_28 = tpu.memref_squeeze %dma_start3A_27 : memref<1x125xi32, #tpu.memory_space<vmem>> -> memref<125xi32, #tpu.memory_space<vmem>>
      %dma_start3A_29 = arith.constant 0 : i32
      %dma_start3A_30 = arith.constant 0 : i32
      %dma_start3A_31 = tpu.memref_slice %arg2[%dma_start3A_29, %dma_start3A_30] : memref<10000x128xf32, #tpu.memory_space<hbm>> -> memref<10000x128xf32, #tpu.memory_space<hbm>>
      tpu.enqueue_indirect_dma source(%dma_start3A_31 : memref<10000x128xf32, #tpu.memory_space<hbm>>) target(%dma_start3A_25 : memref<125x128xf32, #tpu.memory_space<vmem>>) offsets(%dma_start3A_28 : memref<125xi32, #tpu.memory_space<vmem>>) semaphore(%arg12 : memref<!tpu.dma_semaphore, #tpu.memory_space<semaphore_mem>>)
      %scan3A_32 = arith.constant 0 : i32
      %scan3A_33 = arith.constant 0 : i32
      %scan3A_34 = arith.constant 4 : i32
      %scan3A_35 = arith.addi %scan3A_33, %scan3A_34 : i32
      %scan3A_36 = arith.constant 1 : i32
      %scan3A_37 = scf.for %scan3A_63 = %scan3A_33 to %scan3A_35 step %scan3A_36 iter_args(%scan3A_64 = %scan3A_32) -> (i32)  : i32 {
        %mul3A_65 = arith.constant 2 : i32
        %mul3A_66 = arith.muli %mul3A_65, %scan3A_63 : i32
        %add3A_67 = arith.constant 0 : i32
        %add3A_68 = arith.addi %mul3A_66, %add3A_67 : i32
        %dma_wait3A_69 = arith.constant 0 : i32
        %dma_wait3A_70 = arith.constant 0 : i32
        %dma_wait3A_71 = arith.constant 0 : i32
        %dma_wait3A_72 = arith.constant 0 : i32
        %dma_wait3A_73 = tpu.memref_slice %arg9[%dma_wait3A_70, %dma_wait3A_71, %dma_wait3A_72] : memref<2x125x128xf32, #tpu.memory_space<vmem>> -> memref<1x125x128xf32, #tpu.memory_space<vmem>>
        %dma_wait3A_74 = tpu.memref_squeeze %dma_wait3A_73 : memref<1x125x128xf32, #tpu.memory_space<vmem>> -> memref<125x128xf32, #tpu.memory_space<vmem>>
        %dma_wait3A_75 = arith.constant 0 : i32
        %dma_wait3A_76 = tpu.memref_slice %arg7[%dma_wait3A_69, %dma_wait3A_75] : memref<8x125xi32, #tpu.memory_space<vmem>> -> memref<1x125xi32, #tpu.memory_space<vmem>>
        %dma_wait3A_77 = tpu.memref_squeeze %dma_wait3A_76 : memref<1x125xi32, #tpu.memory_space<vmem>> -> memref<125xi32, #tpu.memory_space<vmem>>
        %dma_wait3A_78 = arith.constant 0 : i32
        %dma_wait3A_79 = arith.constant 0 : i32
        %dma_wait3A_80 = tpu.memref_slice %arg2[%dma_wait3A_78, %dma_wait3A_79] : memref<10000x128xf32, #tpu.memory_space<hbm>> -> memref<10000x128xf32, #tpu.memory_space<hbm>>
        tpu.wait_indirect_dma semaphore(%arg12 : memref<!tpu.dma_semaphore, #tpu.memory_space<semaphore_mem>>) src(%dma_wait3A_80 : memref<10000x128xf32, #tpu.memory_space<hbm>>) dst(%dma_wait3A_74 : memref<125x128xf32, #tpu.memory_space<vmem>>)
        %dma_start3A_81 = arith.constant 0 : i32
        %dma_start3A_82 = arith.constant 0 : i32
        %dma_start3A_83 = arith.constant 0 : i32
        %dma_start3A_84 = tpu.memref_slice %arg9[%dma_start3A_81, %dma_start3A_82, %dma_start3A_83] : memref<2x125x128xf32, #tpu.memory_space<vmem>> -> memref<1x125x128xf32, #tpu.memory_space<vmem>>
        %dma_start3A_85 = tpu.memref_squeeze %dma_start3A_84 : memref<1x125x128xf32, #tpu.memory_space<vmem>> -> memref<125x128xf32, #tpu.memory_space<vmem>>
        %dma_start3A_86 = arith.constant 0 : i32
        %dma_start3A_87 = tpu.memref_slice %arg8[%add3A_68, %dma_start3A_86] : memref<8x125xi32, #tpu.memory_space<vmem>> -> memref<1x125xi32, #tpu.memory_space<vmem>>
        %dma_start3A_88 = tpu.memref_squeeze %dma_start3A_87 : memref<1x125xi32, #tpu.memory_space<vmem>> -> memref<125xi32, #tpu.memory_space<vmem>>
        %dma_start3A_89 = arith.constant 0 : i32
        %dma_start3A_90 = arith.constant 0 : i32
        %dma_start3A_91 = tpu.memref_slice %arg11[%dma_start3A_89, %dma_start3A_90] : memref<10240x128xf32, #tpu.memory_space<vmem_shared>> -> memref<10240x128xf32, #tpu.memory_space<vmem_shared>>
        tpu.enqueue_indirect_dma source(%dma_start3A_85 : memref<125x128xf32, #tpu.memory_space<vmem>>) target(%dma_start3A_91 : memref<10240x128xf32, #tpu.memory_space<vmem_shared>>) offsets(%dma_start3A_88 : memref<125xi32, #tpu.memory_space<vmem>>) semaphore(%arg14 : memref<!tpu.dma_semaphore, #tpu.memory_space<semaphore_mem>>) {add = true}
        %add3A_92 = arith.constant 1 : i32
        %add3A_93 = arith.addi %add3A_68, %add3A_92 : i32
        %lt3A = arith.constant 8 : i32
        %lt3A_94 = arith.cmpi slt, %add3A_93, %lt3A : i32
        %convert_element_type3A = arith.extui %lt3A_94 : i1 to i32
        %cond3A = arith.constant 0 : i32
        %cond3A_95 = arith.cmpi ne, %convert_element_type3A, %cond3A : i32
        scf.if %cond3A_95 {
          %ge3A = arith.constant 1 : i32
          %ge3A_131 = arith.cmpi sge, %add3A_68, %ge3A : i32
          %convert_element_type3A_132 = arith.extui %ge3A_131 : i1 to i32
          %cond3A_133 = arith.constant 0 : i32
          %cond3A_134 = arith.cmpi ne, %convert_element_type3A_132, %cond3A_133 : i32
          scf.if %cond3A_134 {
            %dma_wait3A_148 = arith.constant 1 : i32
            %dma_wait3A_149 = arith.constant 0 : i32
            %dma_wait3A_150 = arith.constant 0 : i32
            %dma_wait3A_151 = arith.constant 0 : i32
            %dma_wait3A_152 = tpu.memref_slice %arg9[%dma_wait3A_148, %dma_wait3A_150, %dma_wait3A_151] : memref<2x125x128xf32, #tpu.memory_space<vmem>> -> memref<1x125x128xf32, #tpu.memory_space<vmem>>
            %dma_wait3A_153 = tpu.memref_squeeze %dma_wait3A_152 : memref<1x125x128xf32, #tpu.memory_space<vmem>> -> memref<125x128xf32, #tpu.memory_space<vmem>>
            %dma_wait3A_154 = arith.constant 0 : i32
            %dma_wait3A_155 = tpu.memref_slice %arg8[%dma_wait3A_149, %dma_wait3A_154] : memref<8x125xi32, #tpu.memory_space<vmem>> -> memref<1x125xi32, #tpu.memory_space<vmem>>
            %dma_wait3A_156 = tpu.memref_squeeze %dma_wait3A_155 : memref<1x125xi32, #tpu.memory_space<vmem>> -> memref<125xi32, #tpu.memory_space<vmem>>
            %dma_wait3A_157 = arith.constant 0 : i32
            %dma_wait3A_158 = arith.constant 0 : i32
            %dma_wait3A_159 = tpu.memref_slice %arg11[%dma_wait3A_157, %dma_wait3A_158] : memref<10240x128xf32, #tpu.memory_space<vmem_shared>> -> memref<10240x128xf32, #tpu.memory_space<vmem_shared>>
            tpu.wait_indirect_dma semaphore(%arg15 : memref<!tpu.dma_semaphore, #tpu.memory_space<semaphore_mem>>) src(%dma_wait3A_153 : memref<125x128xf32, #tpu.memory_space<vmem>>) dst(%dma_wait3A_159 : memref<10240x128xf32, #tpu.memory_space<vmem_shared>>)
          } else {
          }
          %add3A_135 = arith.constant 1 : i32
          %add3A_136 = arith.addi %add3A_68, %add3A_135 : i32
          %dma_start3A_137 = arith.constant 1 : i32
          %dma_start3A_138 = arith.constant 0 : i32
          %dma_start3A_139 = arith.constant 0 : i32
          %dma_start3A_140 = tpu.memref_slice %arg9[%dma_start3A_137, %dma_start3A_138, %dma_start3A_139] : memref<2x125x128xf32, #tpu.memory_space<vmem>> -> memref<1x125x128xf32, #tpu.memory_space<vmem>>
          %dma_start3A_141 = tpu.memref_squeeze %dma_start3A_140 : memref<1x125x128xf32, #tpu.memory_space<vmem>> -> memref<125x128xf32, #tpu.memory_space<vmem>>
          %dma_start3A_142 = arith.constant 0 : i32
          %dma_start3A_143 = tpu.memref_slice %arg7[%add3A_136, %dma_start3A_142] : memref<8x125xi32, #tpu.memory_space<vmem>> -> memref<1x125xi32, #tpu.memory_space<vmem>>
          %dma_start3A_144 = tpu.memref_squeeze %dma_start3A_143 : memref<1x125xi32, #tpu.memory_space<vmem>> -> memref<125xi32, #tpu.memory_space<vmem>>
          %dma_start3A_145 = arith.constant 0 : i32
          %dma_start3A_146 = arith.constant 0 : i32
          %dma_start3A_147 = tpu.memref_slice %arg2[%dma_start3A_145, %dma_start3A_146] : memref<10000x128xf32, #tpu.memory_space<hbm>> -> memref<10000x128xf32, #tpu.memory_space<hbm>>
          tpu.enqueue_indirect_dma source(%dma_start3A_147 : memref<10000x128xf32, #tpu.memory_space<hbm>>) target(%dma_start3A_141 : memref<125x128xf32, #tpu.memory_space<vmem>>) offsets(%dma_start3A_144 : memref<125xi32, #tpu.memory_space<vmem>>) semaphore(%arg13 : memref<!tpu.dma_semaphore, #tpu.memory_space<semaphore_mem>>)
        } else {
        }
        %mul3A_96 = arith.constant 2 : i32
        %mul3A_97 = arith.muli %mul3A_96, %scan3A_63 : i32
        %add3A_98 = arith.constant 1 : i32
        %add3A_99 = arith.addi %mul3A_97, %add3A_98 : i32
        %dma_wait3A_100 = arith.constant 0 : i32
        %dma_wait3A_101 = arith.constant 1 : i32
        %dma_wait3A_102 = arith.constant 0 : i32
        %dma_wait3A_103 = arith.constant 0 : i32
        %dma_wait3A_104 = tpu.memref_slice %arg9[%dma_wait3A_101, %dma_wait3A_102, %dma_wait3A_103] : memref<2x125x128xf32, #tpu.memory_space<vmem>> -> memref<1x125x128xf32, #tpu.memory_space<vmem>>
        %dma_wait3A_105 = tpu.memref_squeeze %dma_wait3A_104 : memref<1x125x128xf32, #tpu.memory_space<vmem>> -> memref<125x128xf32, #tpu.memory_space<vmem>>
        %dma_wait3A_106 = arith.constant 0 : i32
        %dma_wait3A_107 = tpu.memref_slice %arg7[%dma_wait3A_100, %dma_wait3A_106] : memref<8x125xi32, #tpu.memory_space<vmem>> -> memref<1x125xi32, #tpu.memory_space<vmem>>
        %dma_wait3A_108 = tpu.memref_squeeze %dma_wait3A_107 : memref<1x125xi32, #tpu.memory_space<vmem>> -> memref<125xi32, #tpu.memory_space<vmem>>
        %dma_wait3A_109 = arith.constant 0 : i32
        %dma_wait3A_110 = arith.constant 0 : i32
        %dma_wait3A_111 = tpu.memref_slice %arg2[%dma_wait3A_109, %dma_wait3A_110] : memref<10000x128xf32, #tpu.memory_space<hbm>> -> memref<10000x128xf32, #tpu.memory_space<hbm>>
        tpu.wait_indirect_dma semaphore(%arg13 : memref<!tpu.dma_semaphore, #tpu.memory_space<semaphore_mem>>) src(%dma_wait3A_111 : memref<10000x128xf32, #tpu.memory_space<hbm>>) dst(%dma_wait3A_105 : memref<125x128xf32, #tpu.memory_space<vmem>>)
        %dma_start3A_112 = arith.constant 1 : i32
        %dma_start3A_113 = arith.constant 0 : i32
        %dma_start3A_114 = arith.constant 0 : i32
        %dma_start3A_115 = tpu.memref_slice %arg9[%dma_start3A_112, %dma_start3A_113, %dma_start3A_114] : memref<2x125x128xf32, #tpu.memory_space<vmem>> -> memref<1x125x128xf32, #tpu.memory_space<vmem>>
        %dma_start3A_116 = tpu.memref_squeeze %dma_start3A_115 : memref<1x125x128xf32, #tpu.memory_space<vmem>> -> memref<125x128xf32, #tpu.memory_space<vmem>>
        %dma_start3A_117 = arith.constant 0 : i32
        %dma_start3A_118 = tpu.memref_slice %arg8[%add3A_99, %dma_start3A_117] : memref<8x125xi32, #tpu.memory_space<vmem>> -> memref<1x125xi32, #tpu.memory_space<vmem>>
        %dma_start3A_119 = tpu.memref_squeeze %dma_start3A_118 : memref<1x125xi32, #tpu.memory_space<vmem>> -> memref<125xi32, #tpu.memory_space<vmem>>
        %dma_start3A_120 = arith.constant 0 : i32
        %dma_start3A_121 = arith.constant 0 : i32
        %dma_start3A_122 = tpu.memref_slice %arg11[%dma_start3A_120, %dma_start3A_121] : memref<10240x128xf32, #tpu.memory_space<vmem_shared>> -> memref<10240x128xf32, #tpu.memory_space<vmem_shared>>
        tpu.enqueue_indirect_dma source(%dma_start3A_116 : memref<125x128xf32, #tpu.memory_space<vmem>>) target(%dma_start3A_122 : memref<10240x128xf32, #tpu.memory_space<vmem_shared>>) offsets(%dma_start3A_119 : memref<125xi32, #tpu.memory_space<vmem>>) semaphore(%arg15 : memref<!tpu.dma_semaphore, #tpu.memory_space<semaphore_mem>>) {add = true}
        %add3A_123 = arith.constant 1 : i32
        %add3A_124 = arith.addi %add3A_99, %add3A_123 : i32
        %lt3A_125 = arith.constant 8 : i32
        %lt3A_126 = arith.cmpi slt, %add3A_124, %lt3A_125 : i32
        %convert_element_type3A_127 = arith.extui %lt3A_126 : i1 to i32
        %cond3A_128 = arith.constant 0 : i32
        %cond3A_129 = arith.cmpi ne, %convert_element_type3A_127, %cond3A_128 : i32
        scf.if %cond3A_129 {
          %ge3A = arith.constant 1 : i32
          %ge3A_131 = arith.cmpi sge, %add3A_99, %ge3A : i32
          %convert_element_type3A_132 = arith.extui %ge3A_131 : i1 to i32
          %cond3A_133 = arith.constant 0 : i32
          %cond3A_134 = arith.cmpi ne, %convert_element_type3A_132, %cond3A_133 : i32
          scf.if %cond3A_134 {
            %dma_wait3A_148 = arith.constant 0 : i32
            %dma_wait3A_149 = arith.constant 0 : i32
            %dma_wait3A_150 = arith.constant 0 : i32
            %dma_wait3A_151 = arith.constant 0 : i32
            %dma_wait3A_152 = tpu.memref_slice %arg9[%dma_wait3A_148, %dma_wait3A_150, %dma_wait3A_151] : memref<2x125x128xf32, #tpu.memory_space<vmem>> -> memref<1x125x128xf32, #tpu.memory_space<vmem>>
            %dma_wait3A_153 = tpu.memref_squeeze %dma_wait3A_152 : memref<1x125x128xf32, #tpu.memory_space<vmem>> -> memref<125x128xf32, #tpu.memory_space<vmem>>
            %dma_wait3A_154 = arith.constant 0 : i32
            %dma_wait3A_155 = tpu.memref_slice %arg8[%dma_wait3A_149, %dma_wait3A_154] : memref<8x125xi32, #tpu.memory_space<vmem>> -> memref<1x125xi32, #tpu.memory_space<vmem>>
            %dma_wait3A_156 = tpu.memref_squeeze %dma_wait3A_155 : memref<1x125xi32, #tpu.memory_space<vmem>> -> memref<125xi32, #tpu.memory_space<vmem>>
            %dma_wait3A_157 = arith.constant 0 : i32
            %dma_wait3A_158 = arith.constant 0 : i32
            %dma_wait3A_159 = tpu.memref_slice %arg11[%dma_wait3A_157, %dma_wait3A_158] : memref<10240x128xf32, #tpu.memory_space<vmem_shared>> -> memref<10240x128xf32, #tpu.memory_space<vmem_shared>>
            tpu.wait_indirect_dma semaphore(%arg14 : memref<!tpu.dma_semaphore, #tpu.memory_space<semaphore_mem>>) src(%dma_wait3A_153 : memref<125x128xf32, #tpu.memory_space<vmem>>) dst(%dma_wait3A_159 : memref<10240x128xf32, #tpu.memory_space<vmem_shared>>)
          } else {
          }
          %add3A_135 = arith.constant 1 : i32
          %add3A_136 = arith.addi %add3A_99, %add3A_135 : i32
          %dma_start3A_137 = arith.constant 0 : i32
          %dma_start3A_138 = arith.constant 0 : i32
          %dma_start3A_139 = arith.constant 0 : i32
          %dma_start3A_140 = tpu.memref_slice %arg9[%dma_start3A_137, %dma_start3A_138, %dma_start3A_139] : memref<2x125x128xf32, #tpu.memory_space<vmem>> -> memref<1x125x128xf32, #tpu.memory_space<vmem>>
          %dma_start3A_141 = tpu.memref_squeeze %dma_start3A_140 : memref<1x125x128xf32, #tpu.memory_space<vmem>> -> memref<125x128xf32, #tpu.memory_space<vmem>>
          %dma_start3A_142 = arith.constant 0 : i32
          %dma_start3A_143 = tpu.memref_slice %arg7[%add3A_136, %dma_start3A_142] : memref<8x125xi32, #tpu.memory_space<vmem>> -> memref<1x125xi32, #tpu.memory_space<vmem>>
          %dma_start3A_144 = tpu.memref_squeeze %dma_start3A_143 : memref<1x125xi32, #tpu.memory_space<vmem>> -> memref<125xi32, #tpu.memory_space<vmem>>
          %dma_start3A_145 = arith.constant 0 : i32
          %dma_start3A_146 = arith.constant 0 : i32
          %dma_start3A_147 = tpu.memref_slice %arg2[%dma_start3A_145, %dma_start3A_146] : memref<10000x128xf32, #tpu.memory_space<hbm>> -> memref<10000x128xf32, #tpu.memory_space<hbm>>
          tpu.enqueue_indirect_dma source(%dma_start3A_147 : memref<10000x128xf32, #tpu.memory_space<hbm>>) target(%dma_start3A_141 : memref<125x128xf32, #tpu.memory_space<vmem>>) offsets(%dma_start3A_144 : memref<125xi32, #tpu.memory_space<vmem>>) semaphore(%arg12 : memref<!tpu.dma_semaphore, #tpu.memory_space<semaphore_mem>>)
        } else {
        }
        %scan3A_130 = arith.constant 0 : i32
        scf.yield %scan3A_130 : i32
      }
      %scan3A_38 = arith.constant 4 : i32
      %dma_wait3A = arith.constant 0 : i32
      %dma_wait3A_39 = arith.constant 0 : i32
      %dma_wait3A_40 = arith.constant 0 : i32
      %dma_wait3A_41 = arith.constant 0 : i32
      %dma_wait3A_42 = tpu.memref_slice %arg9[%dma_wait3A, %dma_wait3A_40, %dma_wait3A_41] : memref<2x125x128xf32, #tpu.memory_space<vmem>> -> memref<1x125x128xf32, #tpu.memory_space<vmem>>
      %dma_wait3A_43 = tpu.memref_squeeze %dma_wait3A_42 : memref<1x125x128xf32, #tpu.memory_space<vmem>> -> memref<125x128xf32, #tpu.memory_space<vmem>>
      %dma_wait3A_44 = arith.constant 0 : i32
      %dma_wait3A_45 = tpu.memref_slice %arg8[%dma_wait3A_39, %dma_wait3A_44] : memref<8x125xi32, #tpu.memory_space<vmem>> -> memref<1x125xi32, #tpu.memory_space<vmem>>
      %dma_wait3A_46 = tpu.memref_squeeze %dma_wait3A_45 : memref<1x125xi32, #tpu.memory_space<vmem>> -> memref<125xi32, #tpu.memory_space<vmem>>
      %dma_wait3A_47 = arith.constant 0 : i32
      %dma_wait3A_48 = arith.constant 0 : i32
      %dma_wait3A_49 = tpu.memref_slice %arg11[%dma_wait3A_47, %dma_wait3A_48] : memref<10240x128xf32, #tpu.memory_space<vmem_shared>> -> memref<10240x128xf32, #tpu.memory_space<vmem_shared>>
      tpu.wait_indirect_dma semaphore(%arg14 : memref<!tpu.dma_semaphore, #tpu.memory_space<semaphore_mem>>) src(%dma_wait3A_43 : memref<125x128xf32, #tpu.memory_space<vmem>>) dst(%dma_wait3A_49 : memref<10240x128xf32, #tpu.memory_space<vmem_shared>>)
      %dma_wait3A_50 = arith.constant 1 : i32
      %dma_wait3A_51 = arith.constant 0 : i32
      %dma_wait3A_52 = arith.constant 0 : i32
      %dma_wait3A_53 = arith.constant 0 : i32
      %dma_wait3A_54 = tpu.memref_slice %arg9[%dma_wait3A_50, %dma_wait3A_52, %dma_wait3A_53] : memref<2x125x128xf32, #tpu.memory_space<vmem>> -> memref<1x125x128xf32, #tpu.memory_space<vmem>>
      %dma_wait3A_55 = tpu.memref_squeeze %dma_wait3A_54 : memref<1x125x128xf32, #tpu.memory_space<vmem>> -> memref<125x128xf32, #tpu.memory_space<vmem>>
      %dma_wait3A_56 = arith.constant 0 : i32
      %dma_wait3A_57 = tpu.memref_slice %arg8[%dma_wait3A_51, %dma_wait3A_56] : memref<8x125xi32, #tpu.memory_space<vmem>> -> memref<1x125xi32, #tpu.memory_space<vmem>>
      %dma_wait3A_58 = tpu.memref_squeeze %dma_wait3A_57 : memref<1x125xi32, #tpu.memory_space<vmem>> -> memref<125xi32, #tpu.memory_space<vmem>>
      %dma_wait3A_59 = arith.constant 0 : i32
      %dma_wait3A_60 = arith.constant 0 : i32
      %dma_wait3A_61 = tpu.memref_slice %arg11[%dma_wait3A_59, %dma_wait3A_60] : memref<10240x128xf32, #tpu.memory_space<vmem_shared>> -> memref<10240x128xf32, #tpu.memory_space<vmem_shared>>
      tpu.wait_indirect_dma semaphore(%arg15 : memref<!tpu.dma_semaphore, #tpu.memory_space<semaphore_mem>>) src(%dma_wait3A_55 : memref<125x128xf32, #tpu.memory_space<vmem>>) dst(%dma_wait3A_61 : memref<10240x128xf32, #tpu.memory_space<vmem_shared>>)
      %scan3A_62 = arith.constant 0 : i32
      scf.yield %scan3A_62 : i32
    }
    %scan3A_13 = arith.constant 10 : i32
    %barrier3A_14 = arith.constant 0 : index
    tpu.barrier barrier_id(%barrier3A_14)
    %mul3A_15 = arith.constant 640 : i32
    %mul3A_16 = arith.muli %arg1, %mul3A_15 : i32
    %mul3A_17 = arith.constant 640 : i32
    %mul3A_18 = arith.muli %arg1, %mul3A_17 : i32
    "tpu.region"() ({
      %run_scoped3A = tpu.sem_alloc : memref<!tpu.dma_semaphore, #tpu.memory_space<semaphore_mem>>
      %dma_start3A = arith.constant 0 : i32
      %dma_start3A_19 = tpu.memref_slice %arg6[%arg0, %mul3A_18, %dma_start3A] : memref<2x10240x128xf32, #tpu.memory_space<hbm>> -> memref<1x640x128xf32, #tpu.memory_space<hbm>>
      %dma_start3A_20 = tpu.memref_squeeze %dma_start3A_19 : memref<1x640x128xf32, #tpu.memory_space<hbm>> -> memref<640x128xf32, #tpu.memory_space<hbm>>
      %dma_start3A_21 = arith.constant 0 : i32
      %dma_start3A_22 = tpu.memref_slice %arg11[%mul3A_16, %dma_start3A_21] : memref<10240x128xf32, #tpu.memory_space<vmem_shared>> -> memref<640x128xf32, #tpu.memory_space<vmem_shared>>
      tpu.enqueue_dma source(%dma_start3A_22 : memref<640x128xf32, #tpu.memory_space<vmem_shared>>) target(%dma_start3A_20 : memref<640x128xf32, #tpu.memory_space<hbm>>) target_semaphore(%run_scoped3A : memref<!tpu.dma_semaphore, #tpu.memory_space<semaphore_mem>>)
      %dma_wait3A = arith.constant 0 : i32
      %dma_wait3A_23 = tpu.memref_slice %arg6[%arg0, %mul3A_18, %dma_wait3A] : memref<2x10240x128xf32, #tpu.memory_space<hbm>> -> memref<1x640x128xf32, #tpu.memory_space<hbm>>
      %dma_wait3A_24 = tpu.memref_squeeze %dma_wait3A_23 : memref<1x640x128xf32, #tpu.memory_space<hbm>> -> memref<640x128xf32, #tpu.memory_space<hbm>>
      %dma_wait3A_25 = arith.constant 0 : i32
      %dma_wait3A_26 = tpu.memref_slice %arg11[%mul3A_16, %dma_wait3A_25] : memref<10240x128xf32, #tpu.memory_space<vmem_shared>> -> memref<640x128xf32, #tpu.memory_space<vmem_shared>>
      tpu.wait_dma2 semaphore(%run_scoped3A : memref<!tpu.dma_semaphore, #tpu.memory_space<semaphore_mem>>) src(%dma_wait3A_26 : memref<640x128xf32, #tpu.memory_space<vmem_shared>>) dst(%dma_wait3A_24 : memref<640x128xf32, #tpu.memory_space<hbm>>)
      tpu.yield
    }) : () -> ()
    return
  }
}

#map = affine_map<(d0, d1) -> (0, 0, 0)>
#map1 = affine_map<(d0, d1) -> (0)>
#map2 = affine_map<(d0, d1) -> (0, 0)>
module attributes {stable_mosaic.version = 14 : i64} {
  func.func @deg_kernel(%arg0: i32, %arg1: i32, %arg2: memref<32x125x80xi32, #tpu.memory_space<hbm>>, %arg3: memref<80xf32, #tpu.memory_space<hbm>>, %arg4: memref<640xf32, #tpu.memory_space<hbm>>, %arg5: memref<2x10240xf32, #tpu.memory_space<hbm>>, %arg6: memref<125x80xi32, #tpu.memory_space<vmem>>, %arg7: memref<80xf32, #tpu.memory_space<vmem>>, %arg8: memref<10240xf32, #tpu.memory_space<vmem_shared>>) attributes {dimension_semantics = [#tpu.dimension_semantics<core_parallel>, #tpu.dimension_semantics<subcore_parallel>], iteration_bounds = array<i64: 2, 16>, scalar_prefetch = 0 : i64, scratch_operands = 3 : i64, tpu.core_type = #tpu.core_type<sc_vector_subcore>, window_params = [{transform_indices = #map}, {transform_indices = #map1}, {transform_indices = #map1}, {transform_indices = #map2}]} {
    %mul3A = arith.constant 2 : i32
    %mul3A_0 = arith.muli %arg1, %mul3A : i32
    %add3A = arith.addi %mul3A_0, %arg0 : i32
    "tpu.region"() ({
      %run_scoped3A = tpu.sem_alloc : memref<!tpu.dma_semaphore, #tpu.memory_space<semaphore_mem>>
      tpu.enqueue_dma source(%arg3 : memref<80xf32, #tpu.memory_space<hbm>>) target(%arg7 : memref<80xf32, #tpu.memory_space<vmem>>) target_semaphore(%run_scoped3A : memref<!tpu.dma_semaphore, #tpu.memory_space<semaphore_mem>>)
      tpu.wait_dma2 semaphore(%run_scoped3A : memref<!tpu.dma_semaphore, #tpu.memory_space<semaphore_mem>>) src(%arg3 : memref<80xf32, #tpu.memory_space<hbm>>) dst(%arg7 : memref<80xf32, #tpu.memory_space<vmem>>)
      tpu.yield
    }) : () -> ()
    "tpu.region"() ({
      %run_scoped3A = tpu.sem_alloc : memref<!tpu.dma_semaphore, #tpu.memory_space<semaphore_mem>>
      %dma_start3A = arith.constant 0 : i32
      %dma_start3A_14 = arith.constant 0 : i32
      %dma_start3A_15 = tpu.memref_slice %arg2[%add3A, %dma_start3A, %dma_start3A_14] : memref<32x125x80xi32, #tpu.memory_space<hbm>> -> memref<1x125x80xi32, #tpu.memory_space<hbm>>
      %dma_start3A_16 = tpu.memref_squeeze %dma_start3A_15 : memref<1x125x80xi32, #tpu.memory_space<hbm>> -> memref<125x80xi32, #tpu.memory_space<hbm>>
      %dma_start3A_17 = arith.constant 0 : i32
      %dma_start3A_18 = arith.constant 0 : i32
      %dma_start3A_19 = tpu.memref_slice %arg2[%add3A, %dma_start3A_17, %dma_start3A_18] : memref<32x125x80xi32, #tpu.memory_space<hbm>> -> memref<1x125x80xi32, #tpu.memory_space<hbm>>
      %dma_start3A_20 = tpu.memref_squeeze %dma_start3A_19 : memref<1x125x80xi32, #tpu.memory_space<hbm>> -> memref<125x80xi32, #tpu.memory_space<hbm>>
      tpu.enqueue_dma source(%dma_start3A_20 : memref<125x80xi32, #tpu.memory_space<hbm>>) target(%arg6 : memref<125x80xi32, #tpu.memory_space<vmem>>) target_semaphore(%run_scoped3A : memref<!tpu.dma_semaphore, #tpu.memory_space<semaphore_mem>>)
      %dma_wait3A = arith.constant 0 : i32
      %dma_wait3A_21 = arith.constant 0 : i32
      %dma_wait3A_22 = tpu.memref_slice %arg2[%add3A, %dma_wait3A, %dma_wait3A_21] : memref<32x125x80xi32, #tpu.memory_space<hbm>> -> memref<1x125x80xi32, #tpu.memory_space<hbm>>
      %dma_wait3A_23 = tpu.memref_squeeze %dma_wait3A_22 : memref<1x125x80xi32, #tpu.memory_space<hbm>> -> memref<125x80xi32, #tpu.memory_space<hbm>>
      %dma_wait3A_24 = arith.constant 0 : i32
      %dma_wait3A_25 = arith.constant 0 : i32
      %dma_wait3A_26 = tpu.memref_slice %arg2[%add3A, %dma_wait3A_24, %dma_wait3A_25] : memref<32x125x80xi32, #tpu.memory_space<hbm>> -> memref<1x125x80xi32, #tpu.memory_space<hbm>>
      %dma_wait3A_27 = tpu.memref_squeeze %dma_wait3A_26 : memref<1x125x80xi32, #tpu.memory_space<hbm>> -> memref<125x80xi32, #tpu.memory_space<hbm>>
      tpu.wait_dma2 semaphore(%run_scoped3A : memref<!tpu.dma_semaphore, #tpu.memory_space<semaphore_mem>>) src(%dma_wait3A_27 : memref<125x80xi32, #tpu.memory_space<hbm>>) dst(%arg6 : memref<125x80xi32, #tpu.memory_space<vmem>>)
      tpu.yield
    }) : () -> ()
    %mul3A_1 = arith.constant 640 : i32
    %mul3A_2 = arith.muli %arg1, %mul3A_1 : i32
    "tpu.region"() ({
      %run_scoped3A = tpu.sem_alloc : memref<!tpu.dma_semaphore, #tpu.memory_space<semaphore_mem>>
      %dma_start3A = tpu.memref_slice %arg8[%mul3A_2] : memref<10240xf32, #tpu.memory_space<vmem_shared>> -> memref<640xf32, #tpu.memory_space<vmem_shared>>
      tpu.enqueue_dma source(%arg4 : memref<640xf32, #tpu.memory_space<hbm>>) target(%dma_start3A : memref<640xf32, #tpu.memory_space<vmem_shared>>) target_semaphore(%run_scoped3A : memref<!tpu.dma_semaphore, #tpu.memory_space<semaphore_mem>>)
      %dma_wait3A = tpu.memref_slice %arg8[%mul3A_2] : memref<10240xf32, #tpu.memory_space<vmem_shared>> -> memref<640xf32, #tpu.memory_space<vmem_shared>>
      tpu.wait_dma2 semaphore(%run_scoped3A : memref<!tpu.dma_semaphore, #tpu.memory_space<semaphore_mem>>) src(%arg4 : memref<640xf32, #tpu.memory_space<hbm>>) dst(%dma_wait3A : memref<640xf32, #tpu.memory_space<vmem_shared>>)
      tpu.yield
    }) : () -> ()
    %barrier3A = arith.constant 0 : index
    tpu.barrier barrier_id(%barrier3A)
    %scan3A = arith.constant 0 : i32
    %scan3A_3 = arith.constant 0 : i32
    %scan3A_4 = arith.constant 125 : i32
    %scan3A_5 = arith.addi %scan3A_3, %scan3A_4 : i32
    %scan3A_6 = arith.constant 1 : i32
    %scan3A_7 = scf.for %scan3A_14 = %scan3A_3 to %scan3A_5 step %scan3A_6 iter_args(%scan3A_15 = %scan3A) -> (i32)  : i32 {
      "tpu.region"() ({
        %run_scoped3A = tpu.sem_alloc : memref<!tpu.dma_semaphore, #tpu.memory_space<semaphore_mem>>
        %dma_start3A = arith.constant 0 : i32
        %dma_start3A_17 = tpu.memref_slice %arg6[%scan3A_14, %dma_start3A] : memref<125x80xi32, #tpu.memory_space<vmem>> -> memref<1x80xi32, #tpu.memory_space<vmem>>
        %dma_start3A_18 = tpu.memref_squeeze %dma_start3A_17 : memref<1x80xi32, #tpu.memory_space<vmem>> -> memref<80xi32, #tpu.memory_space<vmem>>
        %dma_start3A_19 = arith.constant 0 : i32
        %dma_start3A_20 = tpu.memref_slice %arg8[%dma_start3A_19] : memref<10240xf32, #tpu.memory_space<vmem_shared>> -> memref<10240xf32, #tpu.memory_space<vmem_shared>>
        tpu.enqueue_indirect_dma source(%arg7 : memref<80xf32, #tpu.memory_space<vmem>>) target(%dma_start3A_20 : memref<10240xf32, #tpu.memory_space<vmem_shared>>) offsets(%dma_start3A_18 : memref<80xi32, #tpu.memory_space<vmem>>) semaphore(%run_scoped3A : memref<!tpu.dma_semaphore, #tpu.memory_space<semaphore_mem>>) {add = true}
        %dma_wait3A = arith.constant 0 : i32
        %dma_wait3A_21 = tpu.memref_slice %arg6[%scan3A_14, %dma_wait3A] : memref<125x80xi32, #tpu.memory_space<vmem>> -> memref<1x80xi32, #tpu.memory_space<vmem>>
        %dma_wait3A_22 = tpu.memref_squeeze %dma_wait3A_21 : memref<1x80xi32, #tpu.memory_space<vmem>> -> memref<80xi32, #tpu.memory_space<vmem>>
        %dma_wait3A_23 = arith.constant 0 : i32
        %dma_wait3A_24 = tpu.memref_slice %arg8[%dma_wait3A_23] : memref<10240xf32, #tpu.memory_space<vmem_shared>> -> memref<10240xf32, #tpu.memory_space<vmem_shared>>
        tpu.wait_indirect_dma semaphore(%run_scoped3A : memref<!tpu.dma_semaphore, #tpu.memory_space<semaphore_mem>>) src(%arg7 : memref<80xf32, #tpu.memory_space<vmem>>) dst(%dma_wait3A_24 : memref<10240xf32, #tpu.memory_space<vmem_shared>>)
        tpu.yield
      }) : () -> ()
      %scan3A_16 = arith.constant 0 : i32
      scf.yield %scan3A_16 : i32
    }
    %scan3A_8 = arith.constant 125 : i32
    %barrier3A_9 = arith.constant 0 : index
    tpu.barrier barrier_id(%barrier3A_9)
    %mul3A_10 = arith.constant 640 : i32
    %mul3A_11 = arith.muli %arg1, %mul3A_10 : i32
    %mul3A_12 = arith.constant 640 : i32
    %mul3A_13 = arith.muli %arg1, %mul3A_12 : i32
    "tpu.region"() ({
      %run_scoped3A = tpu.sem_alloc : memref<!tpu.dma_semaphore, #tpu.memory_space<semaphore_mem>>
      %dma_start3A = tpu.memref_slice %arg5[%arg0, %mul3A_13] : memref<2x10240xf32, #tpu.memory_space<hbm>> -> memref<1x640xf32, #tpu.memory_space<hbm>>
      %dma_start3A_14 = tpu.memref_squeeze %dma_start3A : memref<1x640xf32, #tpu.memory_space<hbm>> -> memref<640xf32, #tpu.memory_space<hbm>>
      %dma_start3A_15 = tpu.memref_slice %arg8[%mul3A_11] : memref<10240xf32, #tpu.memory_space<vmem_shared>> -> memref<640xf32, #tpu.memory_space<vmem_shared>>
      tpu.enqueue_dma source(%dma_start3A_15 : memref<640xf32, #tpu.memory_space<vmem_shared>>) target(%dma_start3A_14 : memref<640xf32, #tpu.memory_space<hbm>>) target_semaphore(%run_scoped3A : memref<!tpu.dma_semaphore, #tpu.memory_space<semaphore_mem>>)
      %dma_wait3A = tpu.memref_slice %arg5[%arg0, %mul3A_13] : memref<2x10240xf32, #tpu.memory_space<hbm>> -> memref<1x640xf32, #tpu.memory_space<hbm>>
      %dma_wait3A_16 = tpu.memref_squeeze %dma_wait3A : memref<1x640xf32, #tpu.memory_space<hbm>> -> memref<640xf32, #tpu.memory_space<hbm>>
      %dma_wait3A_17 = tpu.memref_slice %arg8[%mul3A_11] : memref<10240xf32, #tpu.memory_space<vmem_shared>> -> memref<640xf32, #tpu.memory_space<vmem_shared>>
      tpu.wait_dma2 semaphore(%run_scoped3A : memref<!tpu.dma_semaphore, #tpu.memory_space<semaphore_mem>>) src(%dma_wait3A_17 : memref<640xf32, #tpu.memory_space<vmem_shared>>) dst(%dma_wait3A_16 : memref<640xf32, #tpu.memory_space<hbm>>)
      tpu.yield
    }) : () -> ()
    return
  }
}

module attributes {stable_mosaic.version = 14 : i64} {
  func.func @body(%arg0: i32, %arg1: memref<2000x128xf32, #tpu.memory_space<vmem>>, %arg2: memref<128x128xf32, #tpu.memory_space<vmem>>, %arg3: memref<2000x128xf32, #tpu.memory_space<vmem>>) attributes {dimension_semantics = [#tpu.dimension_semantics<arbitrary>], iteration_bounds = array<i64: 5>, scalar_prefetch = 0 : i64, scratch_operands = 0 : i64, tpu.core_type = #tpu.core_type<tc>, window_params = [{transform_indices = @transform_0, window_bounds = array<i64: 2000, 128>}, {pipeline_mode = #tpu.pipeline_mode<synchronous>, transform_indices = @transform_1, window_bounds = array<i64: 128, 128>}, {transform_indices = @transform_2, window_bounds = array<i64: 2000, 128>}]} {
    %get3A = arith.constant 0 : index
    %get3A_0 = arith.constant 0 : index
    %get3A_1 = vector.load %arg1[%get3A, %get3A_0] : memref<2000x128xf32, #tpu.memory_space<vmem>>, vector<2000x128xf32>
    %get3A_2 = arith.constant 0 : index
    %get3A_3 = arith.constant 0 : index
    %get3A_4 = vector.load %arg2[%get3A_2, %get3A_3] : memref<128x128xf32, #tpu.memory_space<vmem>>, vector<128x128xf32>
    %dot_general3A = arith.constant dense<0.000000e+00> : vector<2000x128xf32>
    %dot_general3A_5 = tpu.matmul %get3A_1, %get3A_4, %dot_general3A {dimension_numbers = #tpu.dot_dimension_numbers<[1], [0], [0], [1], [0, 0, 1, 1], [], []>, transpose_lhs_hint = false} : vector<2000x128xf32>, vector<128x128xf32>, vector<2000x128xf32> -> vector<2000x128xf32>
    %swap3A = arith.constant 0 : index
    %swap3A_6 = arith.constant 0 : index
    %swap3A_7 = vector.load %arg3[%swap3A, %swap3A_6] : memref<2000x128xf32, #tpu.memory_space<vmem>>, vector<2000x128xf32>
    tpu.vector_store %arg3[%swap3A, %swap3A_6], %dot_general3A_5 {strides = array<i32>} : memref<2000x128xf32, #tpu.memory_space<vmem>>, vector<2000x128xf32>,
    return
  }
  func.func @transform_0(%arg0: i32) -> (i32, i32) {
    %c0_i32 = arith.constant 0 : i32
    %c0_i32_0 = arith.constant 0 : i32
    return %arg0, %c0_i32 : i32, i32
  }
  func.func @transform_1(%arg0: i32) -> (i32, i32) {
    %c0_i32 = arith.constant 0 : i32
    %c0_i32_0 = arith.constant 0 : i32
    %c0_i32_1 = arith.constant 0 : i32
    return %c0_i32, %c0_i32_0 : i32, i32
  }
  func.func @transform_2(%arg0: i32) -> (i32, i32) {
    %c0_i32 = arith.constant 0 : i32
    %c0_i32_0 = arith.constant 0 : i32
    return %arg0, %c0_i32 : i32, i32
  }
}

module attributes {stable_mosaic.version = 14 : i64} {
  func.func @body(%arg0: i32, %arg1: memref<2000x128xf32, #tpu.memory_space<vmem>>, %arg2: memref<2000x128xf32, #tpu.memory_space<vmem>>, %arg3: memref<2000x128xf32, #tpu.memory_space<vmem>>) attributes {dimension_semantics = [#tpu.dimension_semantics<arbitrary>], iteration_bounds = array<i64: 5>, scalar_prefetch = 0 : i64, scratch_operands = 0 : i64, tpu.core_type = #tpu.core_type<tc>, window_params = [{transform_indices = @transform_0, window_bounds = array<i64: 2000, 128>}, {transform_indices = @transform_1, window_bounds = array<i64: 2000, 128>}, {transform_indices = @transform_2, window_bounds = array<i64: 2000, 128>}]} {
    %get3A = arith.constant 0 : index
    %get3A_0 = arith.constant 0 : index
    %get3A_1 = vector.load %arg1[%get3A, %get3A_0] : memref<2000x128xf32, #tpu.memory_space<vmem>>, vector<2000x128xf32>
    %get3A_2 = arith.constant 0 : index
    %get3A_3 = arith.constant 0 : index
    %get3A_4 = vector.load %arg2[%get3A_2, %get3A_3] : memref<2000x128xf32, #tpu.memory_space<vmem>>, vector<2000x128xf32>
    %rsqrt3A = math.rsqrt %get3A_4 : vector<2000x128xf32>
    %mul3A = arith.mulf %get3A_1, %rsqrt3A : vector<2000x128xf32>
    %swap3A = arith.constant 0 : index
    %swap3A_5 = arith.constant 0 : index
    %swap3A_6 = vector.load %arg3[%swap3A, %swap3A_5] : memref<2000x128xf32, #tpu.memory_space<vmem>>, vector<2000x128xf32>
    tpu.vector_store %arg3[%swap3A, %swap3A_5], %mul3A {strides = array<i32>} : memref<2000x128xf32, #tpu.memory_space<vmem>>, vector<2000x128xf32>,
    return
  }
  func.func @transform_0(%arg0: i32) -> (i32, i32) {
    %c0_i32 = arith.constant 0 : i32
    %c0_i32_0 = arith.constant 0 : i32
    return %arg0, %c0_i32 : i32, i32
  }
  func.func @transform_1(%arg0: i32) -> (i32, i32) {
    %c0_i32 = arith.constant 0 : i32
    %c0_i32_0 = arith.constant 0 : i32
    return %arg0, %c0_i32 : i32, i32
  }
  func.func @transform_2(%arg0: i32) -> (i32, i32) {
    %c0_i32 = arith.constant 0 : i32
    %c0_i32_0 = arith.constant 0 : i32
    return %arg0, %c0_i32 : i32, i32
  }
}

module attributes {stable_mosaic.version = 14 : i64} {
  func.func @body(%arg0: i32, %arg1: memref<2000x128xf32, #tpu.memory_space<vmem>>, %arg2: memref<2x2000x128xf32, #tpu.memory_space<vmem>>, %arg3: memref<2000x128xf32, #tpu.memory_space<vmem>>, %arg4: memref<1x128xf32, #tpu.memory_space<vmem>>, %arg5: memref<2000x128xf32, #tpu.memory_space<vmem>>) attributes {dimension_semantics = [#tpu.dimension_semantics<arbitrary>], iteration_bounds = array<i64: 5>, scalar_prefetch = 0 : i64, scratch_operands = 0 : i64, tpu.core_type = #tpu.core_type<tc>, window_params = [{transform_indices = @transform_0, window_bounds = array<i64: 2000, 128>}, {transform_indices = @transform_1, window_bounds = array<i64: 2, 2000, 128>}, {transform_indices = @transform_2, window_bounds = array<i64: 2000, 128>}, {pipeline_mode = #tpu.pipeline_mode<synchronous>, transform_indices = @transform_3, window_bounds = array<i64: 1, 128>}, {transform_indices = @transform_4, window_bounds = array<i64: 2000, 128>}]} {
    %get3A = arith.constant 0 : index
    %get3A_0 = arith.constant 0 : index
    %get3A_1 = vector.load %arg1[%get3A, %get3A_0] : memref<2000x128xf32, #tpu.memory_space<vmem>>, vector<2000x128xf32>
    %rsqrt3A = math.rsqrt %get3A_1 : vector<2000x128xf32>
    %get3A_2 = arith.constant 0 : index
    %get3A_3 = arith.constant 0 : index
    %get3A_4 = arith.constant 0 : index
    %get3A_5 = vector.load %arg2[%get3A_2, %get3A_3, %get3A_4] : memref<2x2000x128xf32, #tpu.memory_space<vmem>>, vector<1x2000x128xf32>
    %get3A_6 = vector.shape_cast %get3A_5 : vector<1x2000x128xf32> to vector<2000x128xf32>
    %get3A_7 = arith.constant 1 : index
    %get3A_8 = arith.constant 0 : index
    %get3A_9 = arith.constant 0 : index
    %get3A_10 = vector.load %arg2[%get3A_7, %get3A_8, %get3A_9] : memref<2x2000x128xf32, #tpu.memory_space<vmem>>, vector<1x2000x128xf32>
    %get3A_11 = vector.shape_cast %get3A_10 : vector<1x2000x128xf32> to vector<2000x128xf32>
    %add3A = arith.addf %get3A_6, %get3A_11 : vector<2000x128xf32>
    %get3A_12 = arith.constant 0 : index
    %get3A_13 = arith.constant 0 : index
    %get3A_14 = vector.load %arg3[%get3A_12, %get3A_13] : memref<2000x128xf32, #tpu.memory_space<vmem>>, vector<2000x128xf32>
    %add3A_15 = arith.addf %add3A, %get3A_14 : vector<2000x128xf32>
    %mul3A = arith.mulf %rsqrt3A, %add3A_15 : vector<2000x128xf32>
    %get3A_16 = arith.constant 0 : index
    %get3A_17 = arith.constant 0 : index
    %get3A_18 = vector.load %arg4[%get3A_16, %get3A_17] : memref<1x128xf32, #tpu.memory_space<vmem>>, vector<1x128xf32>
    %add3A_19 = vector.broadcast %get3A_18 : vector<1x128xf32> to vector<2000x128xf32>
    %add3A_20 = arith.addf %mul3A, %add3A_19 : vector<2000x128xf32>
    %swap3A = arith.constant 0 : index
    %swap3A_21 = arith.constant 0 : index
    %swap3A_22 = vector.load %arg5[%swap3A, %swap3A_21] : memref<2000x128xf32, #tpu.memory_space<vmem>>, vector<2000x128xf32>
    tpu.vector_store %arg5[%swap3A, %swap3A_21], %add3A_20 {strides = array<i32>} : memref<2000x128xf32, #tpu.memory_space<vmem>>, vector<2000x128xf32>,
    return
  }
  func.func @transform_0(%arg0: i32) -> (i32, i32) {
    %c0_i32 = arith.constant 0 : i32
    %c0_i32_0 = arith.constant 0 : i32
    return %arg0, %c0_i32 : i32, i32
  }
  func.func @transform_1(%arg0: i32) -> (i32, i32, i32) {
    %c0_i32 = arith.constant 0 : i32
    %c0_i32_0 = arith.constant 0 : i32
    %c0_i32_1 = arith.constant 0 : i32
    return %c0_i32, %arg0, %c0_i32_0 : i32, i32, i32
  }
  func.func @transform_2(%arg0: i32) -> (i32, i32) {
    %c0_i32 = arith.constant 0 : i32
    %c0_i32_0 = arith.constant 0 : i32
    return %arg0, %c0_i32 : i32, i32
  }
  func.func @transform_3(%arg0: i32) -> (i32, i32) {
    %c0_i32 = arith.constant 0 : i32
    %c0_i32_0 = arith.constant 0 : i32
    %c0_i32_1 = arith.constant 0 : i32
    return %c0_i32, %c0_i32_0 : i32, i32
  }
  func.func @transform_4(%arg0: i32) -> (i32, i32) {
    %c0_i32 = arith.constant 0 : i32
    %c0_i32_0 = arith.constant 0 : i32
    return %arg0, %c0_i32 : i32, i32
  }
}

</mosaic_0001>

<sc_bundles>
// kernel: kernel.10.cloned.1.call-start
scs
__scs_entry_jumppad:
0x0: {  	(pc) =	sbr.rel $0x88, $3  }
0x1: {  	(tag) =	ssettag $0x0;
	lr =	simm.s32 $0x1  }
0x2: {  	[smem:$0x3F9D] =	sst lr;
	_ =	strace $0xD0000000  }
0x3: {  	_ = 	snop  }
0x4: {  	_ = 	snop  }
0x5: {  	_ = 	snop  }
0x6: {  	_ = 	snop  }
0x7: {  	_ = 	snop  }
__scs_overlays_trampoline_lowered:
0x8: {  	[smem:$0x3FAC] =	sst s0  }
0x9: {  	[smem:$0x3FAD] =	sst s1  }
0xa: {  	[smem:$0x3FAE] =	sst s2  }
0xb: {  	[smem:$0x3FAF] =	sst s3  }
0xc: {  	[smem:$0x3FB0] =	sst s4  }
0xd: {  	[smem:$0x3FB1] =	sst s5  }
0xe: {  	[smem:$0x3FB2] =	sst s6  }
0xf: {  	[smem:$0x3FB3] =	sst s7  }
0x10: {  	[smem:$0x3FB4] =	sst s8  }
0x11: {  	[smem:$0x3FB5] =	sst s9;
	s0 =	simm.s32 @!p0 $0x0  }
0x12: {  	s1 =	sld [smem:$0x3F9B];
	s0 =	simm.s32 @p0 $0x1  }
0x13: {  	[smem:$0x3FB6] =	sst s0;
	s0 =	simm.s32 @!p1 $0x0  }
0x14: {  	s2 =	sld [smem:$0x3F9A];
	s0 =	simm.s32 @p1 $0x1  }
0x15: {  	[smem:$0x3FB7] =	sst s0;
	s0 =	simm.s32 @!p2 $0x0  }
0x16: {  	s3 =	sld [smem:$0x3FDB];
	s0 =	simm.s32 @p2 $0x1  }
0x17: {  	s4 =	simm.s32 $0x1BF5;
	[smem:$0x3FB9] =	sst s0  }
0x18: {  	s0 =	sld [smem:$0x3F9C];
	_ =	swait.ge [sflag:s4], $0x0  }
0x19: {  	s7 =	sld [smem:$0x3F9D]  }
0x1a: {  	s8 =	sadd.s32 $0xFFFFE003, lr  }
0x1b: {  	s9 =	sadd.s32 $0xFFFFFEF7, lr;
	s5 =	simm.s32 $0xFFFFFFFF;
	p2 =	slt.u32 s8, $0xFFFFF086  }
0x1c: {  	p1 =	slt.u32 s9, $0xF7A;
	s5 =	simm.s32 @!p2 $0x0  }
0x1d: {  	s5 =	simm.s32 @p1 $0x1;
	p0 =	seq.s32 s7, s2  }
0x1e: {  	s7 =	smul.u32 @!p0 $0xF7A, s2;
	p2 =	seq.s32 @!p0 s5, $0x0  }
0x1f: {  	s9 =	smul.u32 $0xF7A, s1;
	s8 =	simm.s32 @!p0 $0x1BF5;
	p2 =	por !p2, p0  }
0x20: {  	[sflag:s8] =	ssyncset.s32 @!p0 $0xFFFFF086;
	s6 =	sadd.s32 @!p0 s3, s7;
	s7 =	simm.s32 @!p0 $0x108  }
0x21: {  	s3 =	sadd.s32 s3, s9;
	s6 =	sadd.s32 @!p0 $0x88, s6;
	s7 =	simm.s32 @p2 $0x1082  }
0x22: {  	[simem:s7], [sflag:s8] =	dma.local @!p0 [hbm:s6], $0xF7A  }
0x23: {  	s9 =	sor.u32 $0xD0000000, s2;
	s6 =	simm.s32 $0x108;
	_ =	swait.ge @!p0 [sflag:s8], $0x0  }
0x24: {  	s3 =	sadd.s32 $0x88, s3;
	s6 =	simm.s32 @!p1 $0x1082;
	[sflag:s4] =	ssyncset.s32 $0xFFFFF086  }
0x25: {  	[simem:s6], [sflag:s4] =	dma.local [hbm:s3], $0xF7A  }
0x26: {  	[smem:$0x3F9D] =	sst s1;
	(tag) =	ssettag s2;
	_ =	strace s9  }
0x27: {  	s1 =	sld [smem:$0x3FAD]  }
0x28: {  	s2 =	sld [smem:$0x3FAE]  }
0x29: {  	s4 =	sld [smem:$0x3FB0]  }
0x2a: {  	p0 =	seq.s32 s5, $0x0;
	s5 =	sld [smem:$0x3FB1]  }
0x2b: {  	s6 =	sld [smem:$0x3FB2]  }
0x2c: {  	s7 =	sld [smem:$0x3FB3]  }
0x2d: {  	s3 =	simm.s32 $0x108;
	s8 =	sld [smem:$0x3FB4]  }
0x2e: {  	s3 =	simm.s32 @!p0 $0x1082;
	s9 =	sld [smem:$0x3FB5]  }
0x2f: {  	lr =	sadd.s32 s0, s3;
	s0 =	sld [smem:$0x3FAC]  }
0x30: {  	s3 =	sld [smem:$0x3FAF]  }
0x31: {  	[smem:$0x3FB8] =	sst s10  }
0x32: {  	s10 =	sld [smem:$0x3FB6];
	_ =	sdelay $0x3  }
0x33: {  	p0 =	seq.s32 s10, $0x1;
	s10 =	sld [smem:$0x3FB8];
	_ =	sdelay $0x3  }
0x34: {  	[smem:$0x3FB8] =	sst s10  }
0x35: {  	s10 =	sld [smem:$0x3FB7];
	_ =	sdelay $0x3  }
0x36: {  	p1 =	seq.s32 s10, $0x1;
	s10 =	sld [smem:$0x3FB8];
	_ =	sdelay $0x3  }
0x37: {  	[smem:$0x3FB8] =	sst s10  }
0x38: {  	s10 =	sld [smem:$0x3FB9]  }
0x39: {  	_ = 	snop;
	(pc) =	sbr.ind lr, $3  }
0x3a: {  	_ = 	snop  }
0x3b: {  	_ = 	snop  }
0x3c: {  	p2 =	seq.s32 s10, $0x1;
	s10 =	sld [smem:$0x3FB8]  }
0x3d: {  	_ =	shalt  }
0x3e: {  	_ =	shalt  }
0x3f: {  	_ =	shalt  }
0x40: {  	_ =	shalt  }
0x41: {  	_ =	shalt  }
0x42: {  	_ =	shalt  }
0x43: {  	_ =	shalt  }
0x44: {  	_ =	shalt  }
0x45: {  	_ =	shalt  }
0x46: {  	_ =	shalt  }
0x47: {  	_ =	shalt  }
0x48: {  	_ =	shalt  }
0x49: {  	_ =	shalt  }
0x4a: {  	_ =	shalt  }
0x4b: {  	_ =	shalt  }
0x4c: {  	_ =	shalt  }
0x4d: {  	_ =	shalt  }
0x4e: {  	_ =	shalt  }
0x4f: {  	_ =	shalt  }
0x50: {  	_ =	shalt  }
0x51: {  	_ =	shalt  }
0x52: {  	_ =	shalt  }
0x53: {  	_ =	shalt  }
0x54: {  	_ =	shalt  }
0x55: {  	_ =	shalt  }
0x56: {  	_ =	shalt  }
0x57: {  	_ =	shalt  }
0x58: {  	_ =	shalt  }
0x59: {  	_ =	shalt  }
0x5a: {  	_ =	shalt  }
0x5b: {  	_ =	shalt  }
0x5c: {  	_ =	shalt  }
0x5d: {  	_ =	shalt  }
0x5e: {  	_ =	shalt  }
0x5f: {  	_ =	shalt  }
0x60: {  	_ =	shalt  }
0x61: {  	_ =	shalt  }
0x62: {  	_ =	shalt  }
0x63: {  	_ =	shalt  }
0x64: {  	_ =	shalt  }
0x65: {  	_ =	shalt  }
0x66: {  	_ =	shalt  }
0x67: {  	_ =	shalt  }
0x68: {  	_ =	shalt  }
0x69: {  	_ =	shalt  }
0x6a: {  	_ =	shalt  }
0x6b: {  	_ =	shalt  }
0x6c: {  	_ =	shalt  }
0x6d: {  	_ =	shalt  }
0x6e: {  	_ =	shalt  }
0x6f: {  	_ =	shalt  }
0x70: {  	_ =	shalt  }
0x71: {  	_ =	shalt  }
0x72: {  	_ =	shalt  }
0x73: {  	_ =	shalt  }
0x74: {  	_ =	shalt  }
0x75: {  	_ =	shalt  }
0x76: {  	_ =	shalt  }
0x77: {  	_ =	shalt  }
0x78: {  	_ =	shalt  }
0x79: {  	_ =	shalt  }
0x7a: {  	_ =	shalt  }
0x7b: {  	_ =	shalt  }
0x7c: {  	_ =	shalt  }
0x7d: {  	_ =	shalt  }
0x7e: {  	_ =	shalt  }
0x7f: {  	_ =	shalt  }
0x80: {  	_ =	shalt  }
0x81: {  	_ =	shalt  }
0x82: {  	_ =	shalt  }
0x83: {  	_ =	shalt  }
0x84: {  	_ =	shalt  }
0x85: {  	_ =	shalt  }
0x86: {  	_ =	shalt  }
0x87: {  	_ =	shalt  }
.Lfunc_end0:
.L_simem_size_0:
called_computation.1_lowered:
.L_overlay_start_0:
0x88: {  	s2 =	sld [smem:$0x3FD9]  }
0x89: {  	s3 =	sld [smem:$0x3FFE];
	_ =	sdelay $0x1  }
0x8a: {  	s1 =	srdreg.scid  }
0x8b: {  	s0 =	sand.u32 $0x1, s1  }
0x8c: {  	s17 =	sshll.u32 s0, $0xA;
	s2 =	sadd.s32 s3, s2  }
0x8d: {  	s2 =	sadd.s32 s2, s17  }
0x8e: {  	[smem:$0x3FC4] =	sst s2  }
0x8f: {  	_ = 	snop  }
0x90: {  	s2 =	sld [smem:$0x3FD0];
	(tm) =	ssettm $0x1  }
0x91: {  	s18 =	sld [smem:$0x3FFB];
	_ =	sdelay $0x3  }
0x92: {  	_ =	strace s18  }
0x93: {  	s3 =	sld [smem:$0x3FFC];
	_ =	sdelay $0x3  }
0x94: {  	_ =	strace s3  }
0x95: {  	s3 =	sld [smem:$0x3FFD];
	_ =	sdelay $0x3  }
0x96: {  	_ =	strace s3  }
0x97: {  	_ =	strace $0x8FFFFFFF  }
0x98: {  	s19 =	sld [smem:$0x3FDB];
	_ =	sdelay $0x1  }
0x99: {  	s4 =	simm.s32 $_scs_section_size  }
0x9a: {  	s5 =	simm.s32 $_size__tile_overlayer_lowered;
	s6 =	simm.s32 $_tile_overlayer_lowered  }
0x9b: {  	s22 =	simm.s32 $0x1BFF;
	s21 =	sshll.u32 s6, $0x1;
	s3 =	sadd.s32 s4, s19  }
0x9c: {  	s7 =	simm.s32 $0x0;
	s20 =	sshll.u32 s5, $0x1;
	s5 =	sadd.s32 s21, s3  }
0x9d: {  	[timem:s7], [sflag:s22] =	dma.local [hbm:s5], s20  }
0x9e: {  	_ =	swait.ge [sflag:s22], s20  }
0x9f: {  	s4 =	ssub.s32 $0x0, s20;
	[sflag:s22] =	ssyncset.done $0x0  }
0xa0: {  	[sflag:s22] =	ssyncadd.s32 s4;
	_ =	sdelay $0x1  }
0xa1: {  	s23 =	simm.s32 $0x1B8B  }
0xa2: {  	_ =	swait.ge [sflag:s23], $0x1  }
0xa3: {  	[sflag:s23] =	ssyncset.done $0x0  }
0xa4: {  	s25 =	simm.s32 $0x1B8E;
	s24 =	sld [smem:$0x3FFE];
	[sflag:s23] =	ssyncadd.s32 $0xFFFFFFFF  }
0xa5: {  	s26 =	simm.s32 $execute0_lowered;
	[smem:$0x3FD2] =	sst s25  }
0xa6: {  	s5 =	sshll.u32 s26, $0x1;
	_ =	strace $0x80000049;
	[dreg:$0x1] =	wrdreg $0xFFFFFFFF  }
0xa7: {  	s28 =	simm.s32 $_size_execute0_lowered;
	s3 =	sadd.s32 s3, s5;
	[dreg:$0x0] =	wrdreg $0x0  }
0xa8: {  	s5 =	sshll.u32 s28, $0x1;
	[dreg:$0x2] =	wrdreg s3  }
0xa9: {  	[dreg:$0x3] =	wrdreg s5  }
0xaa: {  	[dreg:$0x4] =	wrdreg $0xC0  }
0xab: {  	_ =	task [dreg:s7], $0x5FFFF  }
0xac: {  	[dreg:$0x1] =	wrdreg $0xFFFFFFFF  }
0xad: {  	[dreg:$0x0] =	wrdreg $0x60  }
0xae: {  	[dreg:$0x2] =	wrdreg s2  }
0xaf: {  	[dreg:$0x3] =	wrdreg s24  }
0xb0: {  	[dreg:$0x4] =	wrdreg $0x98000  }
0xb1: {  	[dreg:$0x5] =	wrdreg $0x9  }
0xb2: {  	_ =	task.clear_ibuf [dreg:s7], $0x6FFFF;
	_ =	strace $0x90000049  }
0xb3: {  	s29 =	simm.s32 $0x9;
	_ =	strace $0x8000004B  }
0xb4: {  	_ =	swait.ge [sflag:s29], $0x1  }
0xb5: {  	[sflag:s29] =	ssyncadd.s32 $0xFFFFFFFF  }
0xb6: {  	_ =	strace $0x9000004B  }
0xb7: {  	_ =	sfence  }
0xb8: {  	s30 =	sld [smem:$0x0];
	_ =	sdelay $0x2  }
0xb9: {  	s31 =	sshll.u32 s1, $0xD;
	s1 =	sshrl.u32 s1, $0x2  }
0xba: {  	s3 =	sand.u32 $0x4000, s31;
	s1 =	sadd.s32 s1, s30  }
0xbb: {  	s0 =	sor.u32 s3, s0;
	s1 =	sshll.u32 s1, $0x11  }
0xbc: {  	s0 =	sor.u32 s1, s0  }
0xbd: {  	s0 =	sadd.s32 $0x8F2B, s0  }
0xbe: {  	[sflag:s0] =	ssyncadd.remote.s32 $0x1  }
0xbf: {  	_ =	sfence.sel $0xFFFF  }
0xc0: {  	[dreg:$0x0] =	wrdreg $0xFFFFFFFF;
	(pc) =	sbr.abs _section_cstart, $3  }
0xc1: {  	[dreg:$0x1] =	wrdreg $0xFFFFFFFF  }
0xc2: {  	_ =	task.clear_ibuf [dreg:s7], $0x2FFFF;
	_ =	strace $0x9FFFFFFF  }
0xc3: {  	(tm) =	ssettm $0x7FFFFFFF  }
tec
execute0_lowered:
.L_overlay_start_1:
0x0: {  	(tag) =	ssettag $0x1  }
0x1: {  	s8 =	stileid.u32  }
0x2: {  	s1 =	rddreg [dreg:$0x0];
	s5 =	smul.u32 $0x5000, s8  }
0x3: {  	s0 =	srdreg.scid;
	s26 =	smul.u32 $0x14000, s8  }
0x4: {  	s2 =	rddreg [dreg:$0x1];
	s0 =	sand.u32 $0x1, s0;
	s29 =	smul.u32 $0x50000, s8  }
0x5: {  	s3 =	rddreg [dreg:$0x2];
	s4 =	simm.s32 $0x0;
	s6 =	smul.u32 $0x2800, s0  }
0x6: {  	[smem:$0x7FF] =	sst s4;
	s7 =	smul.u32 $0x140000, s0;
	s0 =	ssub.s32 $0x2, s0  }
0x7: {  	s30 =	sadd.s32 $0x1200, s2;
	_ =	strace $0x8000004A;
	s8 =	sshrl.u32 s0, $0x1  }
0x8: {  	[dreg:$0x5] =	wrdreg s30;
	s5 =	sadd.s32 s6, s5;
	s0 =	ssub.s32 s0, s8  }
0x9: {  	s6 =	sadd.s32 s26, s7;
	s7 =	sshrl.u32 s29, $0x2;
	s0 =	smax.u32 s0, $0x1  }
0xa: {  	s28 =	sadd.s32 s7, s3;
	[dreg:$0x8] =	wrdreg s0  }
0xb: {  	s9 =	sadd.s32 $0x1000, s28;
	[dreg:$0x6] =	wrdreg s28  }
0xc: {  	s10 =	sadd.s32 $0x2000, s28;
	[dreg:$0x9] =	wrdreg s9  }
0xd: {  	s11 =	sadd.s32 $0x3000, s28;
	[dreg:$0xa] =	wrdreg s10  }
0xe: {  	s12 =	sadd.s32 $0x4000, s28;
	[dreg:$0xb] =	wrdreg s11  }
0xf: {  	s13 =	sadd.s32 $0x5000, s28;
	[dreg:$0xc] =	wrdreg s12  }
0x10: {  	s14 =	sadd.s32 $0x6000, s28;
	[dreg:$0xd] =	wrdreg s13  }
0x11: {  	s15 =	sadd.s32 $0x7000, s28;
	[dreg:$0xe] =	wrdreg s14  }
0x12: {  	s16 =	sadd.s32 $0x8000, s28;
	[dreg:$0xf] =	wrdreg s15  }
0x13: {  	s17 =	sadd.s32 $0x9000, s28;
	[dreg:$0x10] =	wrdreg s16  }
0x14: {  	s18 =	sadd.s32 $0xA000, s28;
	[dreg:$0x11] =	wrdreg s17  }
0x15: {  	s31 =	simm.s32 $0x5;
	s19 =	sadd.s32 $0xB000, s28;
	[dreg:$0x12] =	wrdreg s18  }
0x16: {  	s8 =	simm.s32 $0x0;
	s20 =	sadd.s32 $0xC000, s28;
	[dreg:$0x13] =	wrdreg s19  }
0x17: {  	s5 =	sshrl.u32 s5, $0x3;
	s21 =	sadd.s32 $0xD000, s28;
	[dreg:$0x14] =	wrdreg s20  }
0x18: {  	s6 =	sshrl.u32 s6, $0x3;
	s23 =	sadd.s32 $0xE000, s28;
	[dreg:$0x15] =	wrdreg s21  }
0x19: {  	s7 =	simm.s32 $0x1;
	s24 =	sadd.s32 $0xF000, s28;
	[dreg:$0x16] =	wrdreg s23  }
0x1a: {  	s5 =	sadd.s32 s5, s2;
	s25 =	sadd.s32 $0x10000, s28;
	[dreg:$0x17] =	wrdreg s24  }
0x1b: {  	s2 =	sadd.s32 s6, s2;
	s26 =	sadd.s32 $0x11000, s28;
	[dreg:$0x18] =	wrdreg s25  }
0x1c: {  	s29 =	sadd.s32 $0x12000, s28;
	s30 =	sadd.s32 $0x13000, s28;
	[dreg:$0x19] =	wrdreg s26  }
0x1d: {  	s0 =	simm.s32 $0x7D;
	s2 =	sadd.s32 $0x16000, s2;
	[dreg:$0x1a] =	wrdreg s29  }
0x1e: {  	s22 =	sadd.s32 $0x2000, s5;
	s25 =	sadd.s32 $0xC000, s5;
	[dreg:$0x1b] =	wrdreg s30  }
0x1f: {  	s5 =	simm.s32 $0x800;
	s9 =	simm.s32 $0x4800;
	s10 =	simm.s32 $0x2  }
0x20: {  	s11 =	simm.s32 $0x480;
	s12 =	simm.s32 $0x3;
	s13 =	simm.s32 $0x100  }
0x21: {  	s14 =	simm.s32 $0x500;
	s15 =	simm.s32 $0x4;
	s16 =	simm.s32 $0x180  }
0x22: {  	s17 =	simm.s32 $0x580;
	s18 =	simm.s32 $0x200;
	s19 =	simm.s32 $0x600  }
0x23: {  	s20 =	simm.s32 $0x280;
	s21 =	simm.s32 $0x680;
	s23 =	simm.s32 $0x700  }
0x24: {  	s24 =	simm.s32 $0x380;
	s26 =	simm.s32 $0x780;
	[dreg:$0x7] =	wrdreg s2  }
0x25: {  	[dreg:$0x4] =	wrdreg s22;
	s2 =	simm.s32 $0x400;
	s22 =	simm.s32 $0x300  }
.LBB2_1:
0x26: {  	[dreg:$0x1c] =	wrdreg s8  }
0x27: {  	s6 =	rddreg [dreg:$0x5];
	s8 =	simm.s32 $0x8800  }
0x28: {  	[tilespmem:s8], [sflag:$0x5] =	stream.linear.gather [hbm4b:s6+s4], $0x1000, $0x38;
	[tilespmem:$0x1D800] =	vst v63  }
0x29: {  	_ =	swait.ge [sflag:s31], $0x1000  }
0x2a: {  	[sflag:s31] =	ssyncset.done $0x0  }
0x2b: {  	[sflag:s31] =	ssyncadd.s32 $0xFFFFF000  }
0x2c: {  	[spmem:s28] =	stream.linear.scatter [tilespmem:s8], [sflag:$0x5], $0x1000, $0x38;
	[tilespmem:$0x1D800] =	vst v63  }
0x2d: {  	_ =	swait.ge [sflag:s31], $0x1000  }
0x2e: {  	[sflag:s31] =	ssyncset.done $0x0  }
0x2f: {  	s30 =	rddreg [dreg:$0x9];
	[sflag:s31] =	ssyncadd.s32 $0xFFFFF000  }
0x30: {  	[spmem:s30] =	stream.linear.scatter [tilespmem:s8], [sflag:$0x5], $0x1000, $0x38;
	[tilespmem:$0x1D800] =	vst v63  }
0x31: {  	_ =	swait.ge [sflag:s31], $0x1000  }
0x32: {  	[sflag:s31] =	ssyncset.done $0x0  }
0x33: {  	s28 =	rddreg [dreg:$0xa];
	[sflag:s31] =	ssyncadd.s32 $0xFFFFF000  }
0x34: {  	[spmem:s28] =	stream.linear.scatter [tilespmem:s8], [sflag:$0x5], $0x1000, $0x38;
	[tilespmem:$0x1D800] =	vst v63  }
0x35: {  	_ =	swait.ge [sflag:s31], $0x1000  }
0x36: {  	[sflag:s31] =	ssyncset.done $0x0  }
0x37: {  	s30 =	rddreg [dreg:$0xb];
	[sflag:s31] =	ssyncadd.s32 $0xFFFFF000  }
0x38: {  	[spmem:s30] =	stream.linear.scatter [tilespmem:s8], [sflag:$0x5], $0x1000, $0x38;
	[tilespmem:$0x1D800] =	vst v63  }
0x39: {  	_ =	swait.ge [sflag:s31], $0x1000  }
0x3a: {  	[sflag:s31] =	ssyncset.done $0x0  }
0x3b: {  	s28 =	rddreg [dreg:$0xc];
	[sflag:s31] =	ssyncadd.s32 $0xFFFFF000  }
0x3c: {  	[spmem:s28] =	stream.linear.scatter [tilespmem:s8], [sflag:$0x5], $0x1000, $0x38;
	[tilespmem:$0x1D800] =	vst v63  }
0x3d: {  	_ =	swait.ge [sflag:s31], $0x1000  }
0x3e: {  	[sflag:s31] =	ssyncset.done $0x0  }
0x3f: {  	s30 =	rddreg [dreg:$0xd];
	[sflag:s31] =	ssyncadd.s32 $0xFFFFF000  }
0x40: {  	[spmem:s30] =	stream.linear.scatter [tilespmem:s8], [sflag:$0x5], $0x1000, $0x38;
	[tilespmem:$0x1D800] =	vst v63  }
0x41: {  	_ =	swait.ge [sflag:s31], $0x1000  }
0x42: {  	[sflag:s31] =	ssyncset.done $0x0  }
0x43: {  	s28 =	rddreg [dreg:$0xe];
	[sflag:s31] =	ssyncadd.s32 $0xFFFFF000  }
0x44: {  	[spmem:s28] =	stream.linear.scatter [tilespmem:s8], [sflag:$0x5], $0x1000, $0x38;
	[tilespmem:$0x1D800] =	vst v63  }
0x45: {  	_ =	swait.ge [sflag:s31], $0x1000  }
0x46: {  	[sflag:s31] =	ssyncset.done $0x0  }
0x47: {  	s30 =	rddreg [dreg:$0xf];
	[sflag:s31] =	ssyncadd.s32 $0xFFFFF000  }
0x48: {  	[spmem:s30] =	stream.linear.scatter [tilespmem:s8], [sflag:$0x5], $0x1000, $0x38;
	[tilespmem:$0x1D800] =	vst v63  }
0x49: {  	_ =	swait.ge [sflag:s31], $0x1000  }
0x4a: {  	[sflag:s31] =	ssyncset.done $0x0  }
0x4b: {  	s28 =	rddreg [dreg:$0x10];
	[sflag:s31] =	ssyncadd.s32 $0xFFFFF000  }
0x4c: {  	[spmem:s28] =	stream.linear.scatter [tilespmem:s8], [sflag:$0x5], $0x1000, $0x38;
	[tilespmem:$0x1D800] =	vst v63  }
0x4d: {  	_ =	swait.ge [sflag:s31], $0x1000  }
0x4e: {  	[sflag:s31] =	ssyncset.done $0x0  }
0x4f: {  	s30 =	rddreg [dreg:$0x11];
	[sflag:s31] =	ssyncadd.s32 $0xFFFFF000  }
0x50: {  	[spmem:s30] =	stream.linear.scatter [tilespmem:s8], [sflag:$0x5], $0x1000, $0x38;
	[tilespmem:$0x1D800] =	vst v63  }
0x51: {  	_ =	swait.ge [sflag:s31], $0x1000  }
0x52: {  	[sflag:s31] =	ssyncset.done $0x0  }
0x53: {  	s28 =	rddreg [dreg:$0x12];
	[sflag:s31] =	ssyncadd.s32 $0xFFFFF000  }
0x54: {  	[spmem:s28] =	stream.linear.scatter [tilespmem:s8], [sflag:$0x5], $0x1000, $0x38;
	[tilespmem:$0x1D800] =	vst v63  }
0x55: {  	_ =	swait.ge [sflag:s31], $0x1000  }
0x56: {  	[sflag:s31] =	ssyncset.done $0x0  }
0x57: {  	s30 =	rddreg [dreg:$0x13];
	[sflag:s31] =	ssyncadd.s32 $0xFFFFF000  }
0x58: {  	[spmem:s30] =	stream.linear.scatter [tilespmem:s8], [sflag:$0x5], $0x1000, $0x38;
	[tilespmem:$0x1D800] =	vst v63  }
0x59: {  	_ =	swait.ge [sflag:s31], $0x1000  }
0x5a: {  	[sflag:s31] =	ssyncset.done $0x0  }
0x5b: {  	s28 =	rddreg [dreg:$0x14];
	[sflag:s31] =	ssyncadd.s32 $0xFFFFF000  }
0x5c: {  	[spmem:s28] =	stream.linear.scatter [tilespmem:s8], [sflag:$0x5], $0x1000, $0x38;
	[tilespmem:$0x1D800] =	vst v63  }
0x5d: {  	_ =	swait.ge [sflag:s31], $0x1000  }
0x5e: {  	[sflag:s31] =	ssyncset.done $0x0  }
0x5f: {  	s30 =	rddreg [dreg:$0x15];
	[sflag:s31] =	ssyncadd.s32 $0xFFFFF000  }
0x60: {  	[spmem:s30] =	stream.linear.scatter [tilespmem:s8], [sflag:$0x5], $0x1000, $0x38;
	[tilespmem:$0x1D800] =	vst v63  }
0x61: {  	_ =	swait.ge [sflag:s31], $0x1000  }
0x62: {  	[sflag:s31] =	ssyncset.done $0x0  }
0x63: {  	s28 =	rddreg [dreg:$0x16];
	[sflag:s31] =	ssyncadd.s32 $0xFFFFF000  }
0x64: {  	[spmem:s28] =	stream.linear.scatter [tilespmem:s8], [sflag:$0x5], $0x1000, $0x38;
	[tilespmem:$0x1D800] =	vst v63  }
0x65: {  	_ =	swait.ge [sflag:s31], $0x1000  }
0x66: {  	[sflag:s31] =	ssyncset.done $0x0  }
0x67: {  	s30 =	rddreg [dreg:$0x17];
	[sflag:s31] =	ssyncadd.s32 $0xFFFFF000  }
0x68: {  	[spmem:s30] =	stream.linear.scatter [tilespmem:s8], [sflag:$0x5], $0x1000, $0x38;
	[tilespmem:$0x1D800] =	vst v63  }
0x69: {  	_ =	swait.ge [sflag:s31], $0x1000  }
0x6a: {  	[sflag:s31] =	ssyncset.done $0x0  }
0x6b: {  	s28 =	rddreg [dreg:$0x18];
	[sflag:s31] =	ssyncadd.s32 $0xFFFFF000  }
0x6c: {  	[spmem:s28] =	stream.linear.scatter [tilespmem:s8], [sflag:$0x5], $0x1000, $0x38;
	[tilespmem:$0x1D800] =	vst v63  }
0x6d: {  	_ =	swait.ge [sflag:s31], $0x1000  }
0x6e: {  	[sflag:s31] =	ssyncset.done $0x0  }
0x6f: {  	s30 =	rddreg [dreg:$0x19];
	[sflag:s31] =	ssyncadd.s32 $0xFFFFF000  }
0x70: {  	[spmem:s30] =	stream.linear.scatter [tilespmem:s8], [sflag:$0x5], $0x1000, $0x38;
	[tilespmem:$0x1D800] =	vst v63  }
0x71: {  	_ =	swait.ge [sflag:s31], $0x1000  }
0x72: {  	[sflag:s31] =	ssyncset.done $0x0  }
0x73: {  	s28 =	rddreg [dreg:$0x1a];
	[sflag:s31] =	ssyncadd.s32 $0xFFFFF000  }
0x74: {  	[spmem:s28] =	stream.linear.scatter [tilespmem:s8], [sflag:$0x5], $0x1000, $0x38;
	[tilespmem:$0x1D800] =	vst v63  }
0x75: {  	_ =	swait.ge [sflag:s31], $0x1000  }
0x76: {  	[sflag:s31] =	ssyncset.done $0x0  }
0x77: {  	s30 =	rddreg [dreg:$0x1b];
	[sflag:s31] =	ssyncadd.s32 $0xFFFFF000  }
0x78: {  	[spmem:s30] =	stream.linear.scatter [tilespmem:s8], [sflag:$0x5], $0x1000, $0x38;
	[tilespmem:$0x1D800] =	vst v63  }
0x79: {  	_ =	swait.ge [sflag:s31], $0x1000  }
0x7a: {  	[sflag:s31] =	ssyncset.done $0x0  }
0x7b: {  	[sflag:s31] =	ssyncadd.s32 $0xFFFFF000  }
0x7c: {  	s8 =	sadd.s32 $0x0, s25;
	[bflag:$0x0] =	sbarrier.arrive $0xFFFF  }
0x7d: {  	[tilespmem:s4], [sflag:$0x5] =	stream.linear.gather [hbm4b:s8+s4], $0x400, $0x38;
	[tilespmem:$0x1D800] =	vst v63  }
0x7e: {  	_ =	swait.ge [sflag:s31], $0x400  }
0x7f: {  	s28 =	rddreg [dreg:$0x4];
	[sflag:s31] =	ssyncset.done $0x0  }
0x80: {  	[sflag:s31] =	ssyncadd.s32 $0xFFFFFC00;
	s6 =	sadd.s32 $0x0, s28  }
0x81: {  	[tilespmem:s2], [sflag:$0x5] =	stream.linear.gather [hbm4b:s6+s4], $0x400, $0x38;
	[tilespmem:$0x1D800] =	vst v63  }
0x82: {  	_ =	swait.ge [sflag:s31], $0x400  }
0x83: {  	[sflag:s31] =	ssyncset.done $0x0  }
0x84: {  	[sflag:s31] =	ssyncadd.s32 $0xFFFFFC00  }
0x85: {  	[tilespmem:s5], [sflag:$0x1] =	stream.indirect.gather [hbm4b:s1+s0], $0x80, s4, s0, $0xb8;
	[tilespmem:$0x1D800] =	vst v63  }
0x86: {  	_ =	swait.ge [sflag:s7], $0x3E80  }
0x87: {  	[sflag:s7] =	ssyncset.done $0x0  }
0x88: {  	[sflag:s7] =	ssyncadd.s32 $0xFFFFC180  }
0x89: {  	[spmem:s3] =	stream.indirect.scatter.add.f32 [tilespmem:s5], [sflag:$0x3], $0x80, s2, s0, $0xb8;
	[tilespmem:$0x1D800] =	vst v63  }
0x8a: {  	s30 =	simm.s32 $0x80  }
0x8b: {  	[tilespmem:s9], [sflag:$0x2] =	stream.indirect.gather [hbm4b:s1+s0], $0x80, s30, s0, $0xb8;
	[tilespmem:$0x1D800] =	vst v63  }
0x8c: {  	_ =	swait.ge [sflag:s10], $0x3E80  }
0x8d: {  	[sflag:s10] =	ssyncset.done $0x0  }
0x8e: {  	[sflag:s10] =	ssyncadd.s32 $0xFFFFC180  }
0x8f: {  	[spmem:s3] =	stream.indirect.scatter.add.f32 [tilespmem:s9], [sflag:$0x4], $0x80, s11, s0, $0xb8;
	[tilespmem:$0x1D800] =	vst v63  }
0x90: {  	_ =	swait.ge [sflag:s12], $0x3E80  }
0x91: {  	[sflag:s12] =	ssyncset.done $0x0  }
0x92: {  	[sflag:s12] =	ssyncadd.s32 $0xFFFFC180  }
0x93: {  	[tilespmem:s5], [sflag:$0x1] =	stream.indirect.gather [hbm4b:s1+s0], $0x80, s13, s0, $0xb8;
	[tilespmem:$0x1D800] =	vst v63  }
0x94: {  	_ =	swait.ge [sflag:s7], $0x3E80  }
0x95: {  	[sflag:s7] =	ssyncset.done $0x0  }
0x96: {  	[sflag:s7] =	ssyncadd.s32 $0xFFFFC180  }
0x97: {  	[spmem:s3] =	stream.indirect.scatter.add.f32 [tilespmem:s5], [sflag:$0x3], $0x80, s14, s0, $0xb8;
	[tilespmem:$0x1D800] =	vst v63  }
0x98: {  	_ =	swait.ge [sflag:s15], $0x3E80  }
0x99: {  	[sflag:s15] =	ssyncset.done $0x0  }
0x9a: {  	[sflag:s15] =	ssyncadd.s32 $0xFFFFC180  }
0x9b: {  	[tilespmem:s9], [sflag:$0x2] =	stream.indirect.gather [hbm4b:s1+s0], $0x80, s16, s0, $0xb8;
	[tilespmem:$0x1D800] =	vst v63  }
0x9c: {  	_ =	swait.ge [sflag:s10], $0x3E80  }
0x9d: {  	[sflag:s10] =	ssyncset.done $0x0  }
0x9e: {  	[sflag:s10] =	ssyncadd.s32 $0xFFFFC180  }
0x9f: {  	[spmem:s3] =	stream.indirect.scatter.add.f32 [tilespmem:s9], [sflag:$0x4], $0x80, s17, s0, $0xb8;
	[tilespmem:$0x1D800] =	vst v63  }
0xa0: {  	_ =	swait.ge [sflag:s12], $0x3E80  }
0xa1: {  	[sflag:s12] =	ssyncset.done $0x0  }
0xa2: {  	[sflag:s12] =	ssyncadd.s32 $0xFFFFC180  }
0xa3: {  	[tilespmem:s5], [sflag:$0x1] =	stream.indirect.gather [hbm4b:s1+s0], $0x80, s18, s0, $0xb8;
	[tilespmem:$0x1D800] =	vst v63  }
0xa4: {  	_ =	swait.ge [sflag:s7], $0x3E80  }
0xa5: {  	[sflag:s7] =	ssyncset.done $0x0  }
0xa6: {  	[sflag:s7] =	ssyncadd.s32 $0xFFFFC180  }
0xa7: {  	[spmem:s3] =	stream.indirect.scatter.add.f32 [tilespmem:s5], [sflag:$0x3], $0x80, s19, s0, $0xb8;
	[tilespmem:$0x1D800] =	vst v63  }
0xa8: {  	_ =	swait.ge [sflag:s15], $0x3E80  }
0xa9: {  	[sflag:s15] =	ssyncset.done $0x0  }
0xaa: {  	[sflag:s15] =	ssyncadd.s32 $0xFFFFC180  }
0xab: {  	[tilespmem:s9], [sflag:$0x2] =	stream.indirect.gather [hbm4b:s1+s0], $0x80, s20, s0, $0xb8;
	[tilespmem:$0x1D800] =	vst v63  }
0xac: {  	_ =	swait.ge [sflag:s10], $0x3E80  }
0xad: {  	[sflag:s10] =	ssyncset.done $0x0  }
0xae: {  	[sflag:s10] =	ssyncadd.s32 $0xFFFFC180  }
0xaf: {  	[spmem:s3] =	stream.indirect.scatter.add.f32 [tilespmem:s9], [sflag:$0x4], $0x80, s21, s0, $0xb8;
	[tilespmem:$0x1D800] =	vst v63  }
0xb0: {  	_ =	swait.ge [sflag:s12], $0x3E80  }
0xb1: {  	[sflag:s12] =	ssyncset.done $0x0  }
0xb2: {  	[sflag:s12] =	ssyncadd.s32 $0xFFFFC180  }
0xb3: {  	[tilespmem:s5], [sflag:$0x1] =	stream.indirect.gather [hbm4b:s1+s0], $0x80, s22, s0, $0xb8;
	[tilespmem:$0x1D800] =	vst v63  }
0xb4: {  	_ =	swait.ge [sflag:s7], $0x3E80  }
0xb5: {  	[sflag:s7] =	ssyncset.done $0x0  }
0xb6: {  	[sflag:s7] =	ssyncadd.s32 $0xFFFFC180  }
0xb7: {  	[spmem:s3] =	stream.indirect.scatter.add.f32 [tilespmem:s5], [sflag:$0x3], $0x80, s23, s0, $0xb8;
	[tilespmem:$0x1D800] =	vst v63  }
0xb8: {  	_ =	swait.ge [sflag:s15], $0x3E80  }
0xb9: {  	[sflag:s15] =	ssyncset.done $0x0  }
0xba: {  	[sflag:s15] =	ssyncadd.s32 $0xFFFFC180  }
0xbb: {  	[tilespmem:s9], [sflag:$0x2] =	stream.indirect.gather [hbm4b:s1+s0], $0x80, s24, s0, $0xb8;
	[tilespmem:$0x1D800] =	vst v63  }
0xbc: {  	_ =	swait.ge [sflag:s10], $0x3E80  }
0xbd: {  	[sflag:s10] =	ssyncset.done $0x0  }
0xbe: {  	[sflag:s10] =	ssyncadd.s32 $0xFFFFC180  }
0xbf: {  	[spmem:s3] =	stream.indirect.scatter.add.f32 [tilespmem:s9], [sflag:$0x4], $0x80, s26, s0, $0xb8;
	[tilespmem:$0x1D800] =	vst v63  }
0xc0: {  	_ =	swait.ge [sflag:s12], $0x3E80  }
0xc1: {  	[sflag:s12] =	ssyncset.done $0x0  }
0xc2: {  	[sflag:s12] =	ssyncadd.s32 $0xFFFFC180  }
0xc3: {  	_ =	swait.ge [sflag:s15], $0x3E80  }
0xc4: {  	s29 =	simm.s32 $0x80;
	s6 =	simm.s32 $0x100;
	[sflag:s15] =	ssyncset.done $0x0  }
.LBB2_2:
0xc5: {  	s30 =	sadd.s32 s29, s25;
	[sflag:s15] =	ssyncadd.s32 $0xFFFFC180  }
0xc6: {  	[tilespmem:s4], [sflag:$0x5] =	stream.linear.gather [hbm4b:s30+s4], $0x400, $0x38;
	[tilespmem:$0x1D800] =	vst v63  }
0xc7: {  	s8 =	smov.u32 s6;
	_ =	swait.ge [sflag:s31], $0x400  }
0xc8: {  	s28 =	sadd.s32 $0x80, s6;
	s30 =	rddreg [dreg:$0x4];
	[sflag:s31] =	ssyncset.done $0x0  }
0xc9: {  	p0 =	sne.s32 s6, $0x480;
	[sflag:s31] =	ssyncadd.s32 $0xFFFFFC00;
	s6 =	sadd.s32 s29, s30  }
0xca: {  	[tilespmem:s2], [sflag:$0x5] =	stream.linear.gather [hbm4b:s6+s4], $0x400, $0x38;
	[tilespmem:$0x1D800] =	vst v63  }
0xcb: {  	_ =	swait.ge [sflag:s31], $0x400  }
0xcc: {  	[sflag:s31] =	ssyncset.done $0x0  }
0xcd: {  	[sflag:s31] =	ssyncadd.s32 $0xFFFFFC00  }
0xce: {  	[tilespmem:s5], [sflag:$0x1] =	stream.indirect.gather [hbm4b:s1+s0], $0x80, s4, s0, $0xb8;
	[tilespmem:$0x1D800] =	vst v63  }
0xcf: {  	_ =	swait.ge [sflag:s7], $0x3E80  }
0xd0: {  	[sflag:s7] =	ssyncset.done $0x0  }
0xd1: {  	[sflag:s7] =	ssyncadd.s32 $0xFFFFC180  }
0xd2: {  	[spmem:s3] =	stream.indirect.scatter.add.f32 [tilespmem:s5], [sflag:$0x3], $0x80, s2, s0, $0xb8;
	[tilespmem:$0x1D800] =	vst v63  }
0xd3: {  	s30 =	simm.s32 $0x80  }
0xd4: {  	[tilespmem:s9], [sflag:$0x2] =	stream.indirect.gather [hbm4b:s1+s0], $0x80, s30, s0, $0xb8;
	[tilespmem:$0x1D800] =	vst v63  }
0xd5: {  	_ =	swait.ge [sflag:s10], $0x3E80  }
0xd6: {  	[sflag:s10] =	ssyncset.done $0x0  }
0xd7: {  	[sflag:s10] =	ssyncadd.s32 $0xFFFFC180  }
0xd8: {  	[spmem:s3] =	stream.indirect.scatter.add.f32 [tilespmem:s9], [sflag:$0x4], $0x80, s11, s0, $0xb8;
	[tilespmem:$0x1D800] =	vst v63  }
0xd9: {  	_ =	swait.ge [sflag:s12], $0x3E80  }
0xda: {  	[sflag:s12] =	ssyncset.done $0x0  }
0xdb: {  	[sflag:s12] =	ssyncadd.s32 $0xFFFFC180  }
0xdc: {  	[tilespmem:s5], [sflag:$0x1] =	stream.indirect.gather [hbm4b:s1+s0], $0x80, s13, s0, $0xb8;
	[tilespmem:$0x1D800] =	vst v63  }
0xdd: {  	_ =	swait.ge [sflag:s7], $0x3E80  }
0xde: {  	[sflag:s7] =	ssyncset.done $0x0  }
0xdf: {  	[sflag:s7] =	ssyncadd.s32 $0xFFFFC180  }
0xe0: {  	[spmem:s3] =	stream.indirect.scatter.add.f32 [tilespmem:s5], [sflag:$0x3], $0x80, s14, s0, $0xb8;
	[tilespmem:$0x1D800] =	vst v63  }
0xe1: {  	_ =	swait.ge [sflag:s15], $0x3E80  }
0xe2: {  	[sflag:s15] =	ssyncset.done $0x0  }
0xe3: {  	[sflag:s15] =	ssyncadd.s32 $0xFFFFC180  }
0xe4: {  	[tilespmem:s9], [sflag:$0x2] =	stream.indirect.gather [hbm4b:s1+s0], $0x80, s16, s0, $0xb8;
	[tilespmem:$0x1D800] =	vst v63  }
0xe5: {  	_ =	swait.ge [sflag:s10], $0x3E80  }
0xe6: {  	[sflag:s10] =	ssyncset.done $0x0  }
0xe7: {  	[sflag:s10] =	ssyncadd.s32 $0xFFFFC180  }
0xe8: {  	[spmem:s3] =	stream.indirect.scatter.add.f32 [tilespmem:s9], [sflag:$0x4], $0x80, s17, s0, $0xb8;
	[tilespmem:$0x1D800] =	vst v63  }
0xe9: {  	_ =	swait.ge [sflag:s12], $0x3E80  }
0xea: {  	[sflag:s12] =	ssyncset.done $0x0  }
0xeb: {  	[sflag:s12] =	ssyncadd.s32 $0xFFFFC180  }
0xec: {  	[tilespmem:s5], [sflag:$0x1] =	stream.indirect.gather [hbm4b:s1+s0], $0x80, s18, s0, $0xb8;
	[tilespmem:$0x1D800] =	vst v63  }
0xed: {  	_ =	swait.ge [sflag:s7], $0x3E80  }
0xee: {  	[sflag:s7] =	ssyncset.done $0x0  }
0xef: {  	[sflag:s7] =	ssyncadd.s32 $0xFFFFC180  }
0xf0: {  	[spmem:s3] =	stream.indirect.scatter.add.f32 [tilespmem:s5], [sflag:$0x3], $0x80, s19, s0, $0xb8;
	[tilespmem:$0x1D800] =	vst v63  }
0xf1: {  	_ =	swait.ge [sflag:s15], $0x3E80  }
0xf2: {  	[sflag:s15] =	ssyncset.done $0x0  }
0xf3: {  	[sflag:s15] =	ssyncadd.s32 $0xFFFFC180  }
0xf4: {  	[tilespmem:s9], [sflag:$0x2] =	stream.indirect.gather [hbm4b:s1+s0], $0x80, s20, s0, $0xb8;
	[tilespmem:$0x1D800] =	vst v63  }
0xf5: {  	_ =	swait.ge [sflag:s10], $0x3E80  }
0xf6: {  	[sflag:s10] =	ssyncset.done $0x0  }
0xf7: {  	[sflag:s10] =	ssyncadd.s32 $0xFFFFC180  }
0xf8: {  	[spmem:s3] =	stream.indirect.scatter.add.f32 [tilespmem:s9], [sflag:$0x4], $0x80, s21, s0, $0xb8;
	[tilespmem:$0x1D800] =	vst v63  }
0xf9: {  	_ =	swait.ge [sflag:s12], $0x3E80  }
0xfa: {  	[sflag:s12] =	ssyncset.done $0x0  }
0xfb: {  	[sflag:s12] =	ssyncadd.s32 $0xFFFFC180  }
0xfc: {  	[tilespmem:s5], [sflag:$0x1] =	stream.indirect.gather [hbm4b:s1+s0], $0x80, s22, s0, $0xb8;
	[tilespmem:$0x1D800] =	vst v63  }
0xfd: {  	_ =	swait.ge [sflag:s7], $0x3E80  }
0xfe: {  	[sflag:s7] =	ssyncset.done $0x0  }
0xff: {  	[sflag:s7] =	ssyncadd.s32 $0xFFFFC180  }
0x100: {  	[spmem:s3] =	stream.indirect.scatter.add.f32 [tilespmem:s5], [sflag:$0x3], $0x80, s23, s0, $0xb8;
	[tilespmem:$0x1D800] =	vst v63  }
0x101: {  	_ =	swait.ge [sflag:s15], $0x3E80  }
0x102: {  	[sflag:s15] =	ssyncset.done $0x0  }
0x103: {  	[sflag:s15] =	ssyncadd.s32 $0xFFFFC180  }
0x104: {  	[tilespmem:s9], [sflag:$0x2] =	stream.indirect.gather [hbm4b:s1+s0], $0x80, s24, s0, $0xb8;
	[tilespmem:$0x1D800] =	vst v63  }
0x105: {  	_ =	swait.ge [sflag:s10], $0x3E80  }
0x106: {  	[sflag:s10] =	ssyncset.done $0x0  }
0x107: {  	[sflag:s10] =	ssyncadd.s32 $0xFFFFC180  }
0x108: {  	[spmem:s3] =	stream.indirect.scatter.add.f32 [tilespmem:s9], [sflag:$0x4], $0x80, s26, s0, $0xb8;
	[tilespmem:$0x1D800] =	vst v63  }
.Ltmp0:
0x109: {  	_ =	swait.ge [sflag:s12], $0x3E80;
	(pc) =	sbr.rel @p0 .LBB2_2-.Ltmp0, $4  }
0x10a: {  	[sflag:s12] =	ssyncset.done $0x0  }
0x10b: {  	[sflag:s12] =	ssyncadd.s32 $0xFFFFC180  }
0x10c: {  	_ =	swait.ge [sflag:s15], $0x3E80  }
0x10d: {  	s29 =	smov.u32 s8;
	s6 =	smov.u32 s28;
	[sflag:s15] =	ssyncset.done $0x0  }
0x10e: {  	s6 =	sadd.s32 s29, s25;
	[sflag:s15] =	ssyncadd.s32 $0xFFFFC180  }
0x10f: {  	[tilespmem:s4], [sflag:$0x5] =	stream.linear.gather [hbm4b:s6+s4], $0x400, $0x38;
	[tilespmem:$0x1D800] =	vst v63  }
0x110: {  	_ =	swait.ge [sflag:s31], $0x400  }
0x111: {  	s30 =	rddreg [dreg:$0x4];
	[sflag:s31] =	ssyncset.done $0x0  }
0x112: {  	[sflag:s31] =	ssyncadd.s32 $0xFFFFFC00;
	s6 =	sadd.s32 s29, s30  }
0x113: {  	[tilespmem:s2], [sflag:$0x5] =	stream.linear.gather [hbm4b:s6+s4], $0x400, $0x38;
	[tilespmem:$0x1D800] =	vst v63  }
0x114: {  	_ =	swait.ge [sflag:s31], $0x400  }
0x115: {  	[sflag:s31] =	ssyncset.done $0x0  }
0x116: {  	[sflag:s31] =	ssyncadd.s32 $0xFFFFFC00  }
0x117: {  	[tilespmem:s5], [sflag:$0x1] =	stream.indirect.gather [hbm4b:s1+s0], $0x80, s4, s0, $0xb8;
	[tilespmem:$0x1D800] =	vst v63  }
0x118: {  	_ =	swait.ge [sflag:s7], $0x3E80  }
0x119: {  	[sflag:s7] =	ssyncset.done $0x0  }
0x11a: {  	[sflag:s7] =	ssyncadd.s32 $0xFFFFC180  }
0x11b: {  	[spmem:s3] =	stream.indirect.scatter.add.f32 [tilespmem:s5], [sflag:$0x3], $0x80, s2, s0, $0xb8;
	[tilespmem:$0x1D800] =	vst v63  }
0x11c: {  	s8 =	simm.s32 $0x80  }
0x11d: {  	[tilespmem:s9], [sflag:$0x2] =	stream.indirect.gather [hbm4b:s1+s0], $0x80, s8, s0, $0xb8;
	[tilespmem:$0x1D800] =	vst v63  }
0x11e: {  	_ =	swait.ge [sflag:s10], $0x3E80  }
0x11f: {  	[sflag:s10] =	ssyncset.done $0x0  }
0x120: {  	[sflag:s10] =	ssyncadd.s32 $0xFFFFC180  }
0x121: {  	[spmem:s3] =	stream.indirect.scatter.add.f32 [tilespmem:s9], [sflag:$0x4], $0x80, s11, s0, $0xb8;
	[tilespmem:$0x1D800] =	vst v63  }
0x122: {  	_ =	swait.ge [sflag:s12], $0x3E80  }
0x123: {  	[sflag:s12] =	ssyncset.done $0x0  }
0x124: {  	[sflag:s12] =	ssyncadd.s32 $0xFFFFC180  }
0x125: {  	[tilespmem:s5], [sflag:$0x1] =	stream.indirect.gather [hbm4b:s1+s0], $0x80, s13, s0, $0xb8;
	[tilespmem:$0x1D800] =	vst v63  }
0x126: {  	_ =	swait.ge [sflag:s7], $0x3E80  }
0x127: {  	[sflag:s7] =	ssyncset.done $0x0  }
0x128: {  	[sflag:s7] =	ssyncadd.s32 $0xFFFFC180  }
0x129: {  	[spmem:s3] =	stream.indirect.scatter.add.f32 [tilespmem:s5], [sflag:$0x3], $0x80, s14, s0, $0xb8;
	[tilespmem:$0x1D800] =	vst v63  }
0x12a: {  	_ =	swait.ge [sflag:s15], $0x3E80  }
0x12b: {  	[sflag:s15] =	ssyncset.done $0x0  }
0x12c: {  	[sflag:s15] =	ssyncadd.s32 $0xFFFFC180  }
0x12d: {  	[tilespmem:s9], [sflag:$0x2] =	stream.indirect.gather [hbm4b:s1+s0], $0x80, s16, s0, $0xb8;
	[tilespmem:$0x1D800] =	vst v63  }
0x12e: {  	_ =	swait.ge [sflag:s10], $0x3E80  }
0x12f: {  	[sflag:s10] =	ssyncset.done $0x0  }
0x130: {  	[sflag:s10] =	ssyncadd.s32 $0xFFFFC180  }
0x131: {  	[spmem:s3] =	stream.indirect.scatter.add.f32 [tilespmem:s9], [sflag:$0x4], $0x80, s17, s0, $0xb8;
	[tilespmem:$0x1D800] =	vst v63  }
0x132: {  	_ =	swait.ge [sflag:s12], $0x3E80  }
0x133: {  	[sflag:s12] =	ssyncset.done $0x0  }
0x134: {  	[sflag:s12] =	ssyncadd.s32 $0xFFFFC180  }
0x135: {  	[tilespmem:s5], [sflag:$0x1] =	stream.indirect.gather [hbm4b:s1+s0], $0x80, s18, s0, $0xb8;
	[tilespmem:$0x1D800] =	vst v63  }
0x136: {  	_ =	swait.ge [sflag:s7], $0x3E80  }
0x137: {  	[sflag:s7] =	ssyncset.done $0x0  }
0x138: {  	[sflag:s7] =	ssyncadd.s32 $0xFFFFC180  }
0x139: {  	[spmem:s3] =	stream.indirect.scatter.add.f32 [tilespmem:s5], [sflag:$0x3], $0x80, s19, s0, $0xb8;
	[tilespmem:$0x1D800] =	vst v63  }
0x13a: {  	_ =	swait.ge [sflag:s15], $0x3E80  }
0x13b: {  	[sflag:s15] =	ssyncset.done $0x0  }
0x13c: {  	[sflag:s15] =	ssyncadd.s32 $0xFFFFC180  }
0x13d: {  	[tilespmem:s9], [sflag:$0x2] =	stream.indirect.gather [hbm4b:s1+s0], $0x80, s20, s0, $0xb8;
	[tilespmem:$0x1D800] =	vst v63  }
0x13e: {  	_ =	swait.ge [sflag:s10], $0x3E80  }
0x13f: {  	[sflag:s10] =	ssyncset.done $0x0  }
0x140: {  	[sflag:s10] =	ssyncadd.s32 $0xFFFFC180  }
0x141: {  	[spmem:s3] =	stream.indirect.scatter.add.f32 [tilespmem:s9], [sflag:$0x4], $0x80, s21, s0, $0xb8;
	[tilespmem:$0x1D800] =	vst v63  }
0x142: {  	_ =	swait.ge [sflag:s12], $0x3E80  }
0x143: {  	[sflag:s12] =	ssyncset.done $0x0  }
0x144: {  	[sflag:s12] =	ssyncadd.s32 $0xFFFFC180  }
0x145: {  	[tilespmem:s5], [sflag:$0x1] =	stream.indirect.gather [hbm4b:s1+s0], $0x80, s22, s0, $0xb8;
	[tilespmem:$0x1D800] =	vst v63  }
0x146: {  	_ =	swait.ge [sflag:s7], $0x3E80  }
0x147: {  	[sflag:s7] =	ssyncset.done $0x0  }
0x148: {  	[sflag:s7] =	ssyncadd.s32 $0xFFFFC180  }
0x149: {  	[spmem:s3] =	stream.indirect.scatter.add.f32 [tilespmem:s5], [sflag:$0x3], $0x80, s23, s0, $0xb8;
	[tilespmem:$0x1D800] =	vst v63  }
0x14a: {  	_ =	swait.ge [sflag:s15], $0x3E80  }
0x14b: {  	[sflag:s15] =	ssyncset.done $0x0  }
0x14c: {  	[sflag:s15] =	ssyncadd.s32 $0xFFFFC180  }
0x14d: {  	[tilespmem:s9], [sflag:$0x2] =	stream.indirect.gather [hbm4b:s1+s0], $0x80, s24, s0, $0xb8;
	[tilespmem:$0x1D800] =	vst v63  }
0x14e: {  	_ =	swait.ge [sflag:s10], $0x3E80  }
0x14f: {  	[sflag:s10] =	ssyncset.done $0x0  }
0x150: {  	[sflag:s10] =	ssyncadd.s32 $0xFFFFC180  }
0x151: {  	[spmem:s3] =	stream.indirect.scatter.add.f32 [tilespmem:s9], [sflag:$0x4], $0x80, s26, s0, $0xb8;
	[tilespmem:$0x1D800] =	vst v63  }
0x152: {  	_ =	swait.ge [sflag:s12], $0x3E80  }
0x153: {  	[sflag:s12] =	ssyncset.done $0x0  }
0x154: {  	[sflag:s12] =	ssyncadd.s32 $0xFFFFC180  }
0x155: {  	_ =	swait.ge [sflag:s15], $0x3E80  }
0x156: {  	[sflag:s15] =	ssyncset.done $0x0  }
0x157: {  	[sflag:s15] =	ssyncadd.s32 $0xFFFFC180  }
0x158: {  	s29 =	stileid.u32;
	[bflag:$0x0] =	sbarrier.arrive $0xFFFF  }
0x159: {  	s6 =	sshll.u32 s29, $0x6;
	s28 =	rddreg [dreg:$0x6]  }
0x15a: {  	s6 =	sor.u32 $0x1C05, s6;
	s30 =	rddreg [dreg:$0x7];
	s8 =	sshrl.u32 s28, $0x3  }
0x15b: {  	[hbm:s30], [sflag:s6] =	dma.local [spmem:s8], $0x2800  }
0x15c: {  	_ =	swait.ge [sflag:s31], $0x2800  }
0x15d: {  	s29 =	rddreg [dreg:$0x1c]  }
0x15e: {  	s30 =	rddreg [dreg:$0x8];
	s8 =	sadd.s32 $0x1, s29  }
0x15f: {  	p0 =	sne.s32 s8, s30  }
.Ltmp1:
0x160: {  	_ = 	snop;
	(pc) =	sbr.rel @p0 .LBB2_1-.Ltmp1, $3  }
0x161: {  	_ =	sdelay $0x1  }
0x162: {  	[sflag:s31] =	ssyncset.done $0x0  }
0x163: {  	[sflag:s31] =	ssyncadd.s32 $0xFFFFD800  }
0x164: {  	_ =	sfence.sel $0x180000  }
0x165: {  	[bflag:$0x0] =	sbarrier.arrive $0xFFFF  }
0x166: {  	_ =	strace $0x9000004A  }
0x167: {  	s0 =	stileid.u32;
	[bflag:$0x2] =	sbarrier.arrive $0xFFFF  }
0x168: {  	p0 =	sne.s32 s0, $0x0;
	s0 =	rddreg [dreg:$0x3]  }
0x169: {  	s0 =	sadd.s32 @!p0 $0x100000, s0  }
0x16a: {  	[sflag:s0] =	ssyncadd.tile.s32 @!p0 $0x1;
	_ =	shalt  }
.Lfunc_end2:
_tile_overlayer_lowered:
.L_overlay_start_2:
0x16b: {  	(tag) =	ssettag $0x2  }
0x16c: {  	s0 =	rddreg [dreg:$0x0];
	s2 =	stileid.u32  }
0x16d: {  	s1 =	rddreg [dreg:$0x1];
	p0 =	sne.s32 s2, $0x0  }
0x16e: {  	s3 =	rddreg [dreg:$0x2];
	[bflag:$0x3] =	sbarrier.arrive $0xFFFF;
	s2 =	simm.s32 @!p0 $0x1C05  }
0x16f: {  	[timem:s3], [sflag:s2] =	dma.local @!p0 [hbm:s0], s1  }
0x170: {  	s0 =	simm.s32 @!p0 $0x5  }
0x171: {  	_ =	swait.ge @!p0 [sflag:s0], s1  }
0x172: {  	s1 =	ssub.s32 @!p0 $0x0, s1;
	[sflag:s0] =	ssyncset.done @!p0 $0x0  }
0x173: {  	[sflag:s0] =	ssyncadd.s32 @!p0 s1  }
0x174: {  	[bflag:$0x3] =	sbarrier.arrive $0xFFFF  }
0x175: {  	_ =	shalt  }

// kernel: kernel.7.cloned.1.call-start
scs
__scs_entry_jumppad:
0x0: {  	(pc) =	sbr.rel $0x88, $3  }
0x1: {  	(tag) =	ssettag $0x0;
	lr =	simm.s32 $0x1  }
0x2: {  	[smem:$0x3F9D] =	sst lr;
	_ =	strace $0xD0000000  }
0x3: {  	_ = 	snop  }
0x4: {  	_ = 	snop  }
0x5: {  	_ = 	snop  }
0x6: {  	_ = 	snop  }
0x7: {  	_ = 	snop  }
__scs_overlays_trampoline_lowered:
0x8: {  	[smem:$0x3FAC] =	sst s0  }
0x9: {  	[smem:$0x3FAD] =	sst s1  }
0xa: {  	[smem:$0x3FAE] =	sst s2  }
0xb: {  	[smem:$0x3FAF] =	sst s3  }
0xc: {  	[smem:$0x3FB0] =	sst s4  }
0xd: {  	[smem:$0x3FB1] =	sst s5  }
0xe: {  	[smem:$0x3FB2] =	sst s6  }
0xf: {  	[smem:$0x3FB3] =	sst s7  }
0x10: {  	[smem:$0x3FB4] =	sst s8  }
0x11: {  	[smem:$0x3FB5] =	sst s9;
	s0 =	simm.s32 @!p0 $0x0  }
0x12: {  	s1 =	sld [smem:$0x3F9B];
	s0 =	simm.s32 @p0 $0x1  }
0x13: {  	[smem:$0x3FB6] =	sst s0;
	s0 =	simm.s32 @!p1 $0x0  }
0x14: {  	s2 =	sld [smem:$0x3F9A];
	s0 =	simm.s32 @p1 $0x1  }
0x15: {  	[smem:$0x3FB7] =	sst s0;
	s0 =	simm.s32 @!p2 $0x0  }
0x16: {  	s3 =	sld [smem:$0x3FDB];
	s0 =	simm.s32 @p2 $0x1  }
0x17: {  	s4 =	simm.s32 $0x1BF5;
	[smem:$0x3FB9] =	sst s0  }
0x18: {  	s0 =	sld [smem:$0x3F9C];
	_ =	swait.ge [sflag:s4], $0x0  }
0x19: {  	s7 =	sld [smem:$0x3F9D]  }
0x1a: {  	s8 =	sadd.s32 $0xFFFFE003, lr  }
0x1b: {  	s9 =	sadd.s32 $0xFFFFFEF7, lr;
	s5 =	simm.s32 $0xFFFFFFFF;
	p2 =	slt.u32 s8, $0xFFFFF086  }
0x1c: {  	p1 =	slt.u32 s9, $0xF7A;
	s5 =	simm.s32 @!p2 $0x0  }
0x1d: {  	s5 =	simm.s32 @p1 $0x1;
	p0 =	seq.s32 s7, s2  }
0x1e: {  	s7 =	smul.u32 @!p0 $0xF7A, s2;
	p2 =	seq.s32 @!p0 s5, $0x0  }
0x1f: {  	s9 =	smul.u32 $0xF7A, s1;
	s8 =	simm.s32 @!p0 $0x1BF5;
	p2 =	por !p2, p0  }
0x20: {  	[sflag:s8] =	ssyncset.s32 @!p0 $0xFFFFF086;
	s6 =	sadd.s32 @!p0 s3, s7;
	s7 =	simm.s32 @!p0 $0x108  }
0x21: {  	s3 =	sadd.s32 s3, s9;
	s6 =	sadd.s32 @!p0 $0x88, s6;
	s7 =	simm.s32 @p2 $0x1082  }
0x22: {  	[simem:s7], [sflag:s8] =	dma.local @!p0 [hbm:s6], $0xF7A  }
0x23: {  	s9 =	sor.u32 $0xD0000000, s2;
	s6 =	simm.s32 $0x108;
	_ =	swait.ge @!p0 [sflag:s8], $0x0  }
0x24: {  	s3 =	sadd.s32 $0x88, s3;
	s6 =	simm.s32 @!p1 $0x1082;
	[sflag:s4] =	ssyncset.s32 $0xFFFFF086  }
0x25: {  	[simem:s6], [sflag:s4] =	dma.local [hbm:s3], $0xF7A  }
0x26: {  	[smem:$0x3F9D] =	sst s1;
	(tag) =	ssettag s2;
	_ =	strace s9  }
0x27: {  	s1 =	sld [smem:$0x3FAD]  }
0x28: {  	s2 =	sld [smem:$0x3FAE]  }
0x29: {  	s4 =	sld [smem:$0x3FB0]  }
0x2a: {  	p0 =	seq.s32 s5, $0x0;
	s5 =	sld [smem:$0x3FB1]  }
0x2b: {  	s6 =	sld [smem:$0x3FB2]  }
0x2c: {  	s7 =	sld [smem:$0x3FB3]  }
0x2d: {  	s3 =	simm.s32 $0x108;
	s8 =	sld [smem:$0x3FB4]  }
0x2e: {  	s3 =	simm.s32 @!p0 $0x1082;
	s9 =	sld [smem:$0x3FB5]  }
0x2f: {  	lr =	sadd.s32 s0, s3;
	s0 =	sld [smem:$0x3FAC]  }
0x30: {  	s3 =	sld [smem:$0x3FAF]  }
0x31: {  	[smem:$0x3FB8] =	sst s10  }
0x32: {  	s10 =	sld [smem:$0x3FB6];
	_ =	sdelay $0x3  }
0x33: {  	p0 =	seq.s32 s10, $0x1;
	s10 =	sld [smem:$0x3FB8];
	_ =	sdelay $0x3  }
0x34: {  	[smem:$0x3FB8] =	sst s10  }
0x35: {  	s10 =	sld [smem:$0x3FB7];
	_ =	sdelay $0x3  }
0x36: {  	p1 =	seq.s32 s10, $0x1;
	s10 =	sld [smem:$0x3FB8];
	_ =	sdelay $0x3  }
0x37: {  	[smem:$0x3FB8] =	sst s10  }
0x38: {  	s10 =	sld [smem:$0x3FB9]  }
0x39: {  	_ = 	snop;
	(pc) =	sbr.ind lr, $3  }
0x3a: {  	_ = 	snop  }
0x3b: {  	_ = 	snop  }
0x3c: {  	p2 =	seq.s32 s10, $0x1;
	s10 =	sld [smem:$0x3FB8]  }
0x3d: {  	_ =	shalt  }
0x3e: {  	_ =	shalt  }
0x3f: {  	_ =	shalt  }
0x40: {  	_ =	shalt  }
0x41: {  	_ =	shalt  }
0x42: {  	_ =	shalt  }
0x43: {  	_ =	shalt  }
0x44: {  	_ =	shalt  }
0x45: {  	_ =	shalt  }
0x46: {  	_ =	shalt  }
0x47: {  	_ =	shalt  }
0x48: {  	_ =	shalt  }
0x49: {  	_ =	shalt  }
0x4a: {  	_ =	shalt  }
0x4b: {  	_ =	shalt  }
0x4c: {  	_ =	shalt  }
0x4d: {  	_ =	shalt  }
0x4e: {  	_ =	shalt  }
0x4f: {  	_ =	shalt  }
0x50: {  	_ =	shalt  }
0x51: {  	_ =	shalt  }
0x52: {  	_ =	shalt  }
0x53: {  	_ =	shalt  }
0x54: {  	_ =	shalt  }
0x55: {  	_ =	shalt  }
0x56: {  	_ =	shalt  }
0x57: {  	_ =	shalt  }
0x58: {  	_ =	shalt  }
0x59: {  	_ =	shalt  }
0x5a: {  	_ =	shalt  }
0x5b: {  	_ =	shalt  }
0x5c: {  	_ =	shalt  }
0x5d: {  	_ =	shalt  }
0x5e: {  	_ =	shalt  }
0x5f: {  	_ =	shalt  }
0x60: {  	_ =	shalt  }
0x61: {  	_ =	shalt  }
0x62: {  	_ =	shalt  }
0x63: {  	_ =	shalt  }
0x64: {  	_ =	shalt  }
0x65: {  	_ =	shalt  }
0x66: {  	_ =	shalt  }
0x67: {  	_ =	shalt  }
0x68: {  	_ =	shalt  }
0x69: {  	_ =	shalt  }
0x6a: {  	_ =	shalt  }
0x6b: {  	_ =	shalt  }
0x6c: {  	_ =	shalt  }
0x6d: {  	_ =	shalt  }
0x6e: {  	_ =	shalt  }
0x6f: {  	_ =	shalt  }
0x70: {  	_ =	shalt  }
0x71: {  	_ =	shalt  }
0x72: {  	_ =	shalt  }
0x73: {  	_ =	shalt  }
0x74: {  	_ =	shalt  }
0x75: {  	_ =	shalt  }
0x76: {  	_ =	shalt  }
0x77: {  	_ =	shalt  }
0x78: {  	_ =	shalt  }
0x79: {  	_ =	shalt  }
0x7a: {  	_ =	shalt  }
0x7b: {  	_ =	shalt  }
0x7c: {  	_ =	shalt  }
0x7d: {  	_ =	shalt  }
0x7e: {  	_ =	shalt  }
0x7f: {  	_ =	shalt  }
0x80: {  	_ =	shalt  }
0x81: {  	_ =	shalt  }
0x82: {  	_ =	shalt  }
0x83: {  	_ =	shalt  }
0x84: {  	_ =	shalt  }
0x85: {  	_ =	shalt  }
0x86: {  	_ =	shalt  }
0x87: {  	_ =	shalt  }
.Lfunc_end0:
.L_simem_size_0:
called_computation_lowered:
.L_overlay_start_0:
0x88: {  	s2 =	sld [smem:$0x3FD9]  }
0x89: {  	s3 =	sld [smem:$0x3FFE];
	_ =	sdelay $0x1  }
0x8a: {  	s1 =	srdreg.scid  }
0x8b: {  	s0 =	sand.u32 $0x1, s1  }
0x8c: {  	s17 =	sshll.u32 s0, $0xA;
	s2 =	sadd.s32 s3, s2  }
0x8d: {  	s2 =	sadd.s32 s2, s17  }
0x8e: {  	[smem:$0x3FC4] =	sst s2  }
0x8f: {  	_ = 	snop  }
0x90: {  	s2 =	sld [smem:$0x3FD0];
	(tm) =	ssettm $0x1  }
0x91: {  	s18 =	sld [smem:$0x3FFB];
	_ =	sdelay $0x3  }
0x92: {  	_ =	strace s18  }
0x93: {  	s3 =	sld [smem:$0x3FFC];
	_ =	sdelay $0x3  }
0x94: {  	_ =	strace s3  }
0x95: {  	s3 =	sld [smem:$0x3FFD];
	_ =	sdelay $0x3  }
0x96: {  	_ =	strace s3  }
0x97: {  	_ =	strace $0x8FFFFFFF  }
0x98: {  	s19 =	sld [smem:$0x3FDB];
	_ =	sdelay $0x1  }
0x99: {  	s4 =	simm.s32 $_scs_section_size  }
0x9a: {  	s5 =	simm.s32 $_size__tile_overlayer_lowered;
	s6 =	simm.s32 $_tile_overlayer_lowered  }
0x9b: {  	s22 =	simm.s32 $0x1BFF;
	s21 =	sshll.u32 s6, $0x1;
	s3 =	sadd.s32 s4, s19  }
0x9c: {  	s7 =	simm.s32 $0x0;
	s20 =	sshll.u32 s5, $0x1;
	s5 =	sadd.s32 s21, s3  }
0x9d: {  	[timem:s7], [sflag:s22] =	dma.local [hbm:s5], s20  }
0x9e: {  	_ =	swait.ge [sflag:s22], s20  }
0x9f: {  	s4 =	ssub.s32 $0x0, s20;
	[sflag:s22] =	ssyncset.done $0x0  }
0xa0: {  	[sflag:s22] =	ssyncadd.s32 s4;
	_ =	sdelay $0x1  }
0xa1: {  	s23 =	simm.s32 $0x1B8B  }
0xa2: {  	_ =	swait.ge [sflag:s23], $0x1  }
0xa3: {  	[sflag:s23] =	ssyncset.done $0x0  }
0xa4: {  	s25 =	simm.s32 $0x1B8E;
	s24 =	sld [smem:$0x3FFE];
	[sflag:s23] =	ssyncadd.s32 $0xFFFFFFFF  }
0xa5: {  	s26 =	simm.s32 $execute0_lowered;
	[smem:$0x3FD2] =	sst s25  }
0xa6: {  	s5 =	sshll.u32 s26, $0x1;
	_ =	strace $0x80000046;
	[dreg:$0x1] =	wrdreg $0xFFFFFFFF  }
0xa7: {  	s28 =	simm.s32 $_size_execute0_lowered;
	s3 =	sadd.s32 s3, s5;
	[dreg:$0x0] =	wrdreg $0x0  }
0xa8: {  	s5 =	sshll.u32 s28, $0x1;
	[dreg:$0x2] =	wrdreg s3  }
0xa9: {  	[dreg:$0x3] =	wrdreg s5  }
0xaa: {  	[dreg:$0x4] =	wrdreg $0xC0  }
0xab: {  	_ =	task [dreg:s7], $0x5FFFF  }
0xac: {  	[dreg:$0x1] =	wrdreg $0xFFFFFFFF  }
0xad: {  	[dreg:$0x0] =	wrdreg $0x60  }
0xae: {  	[dreg:$0x2] =	wrdreg s2  }
0xaf: {  	[dreg:$0x3] =	wrdreg s24  }
0xb0: {  	[dreg:$0x4] =	wrdreg $0x40800  }
0xb1: {  	[dreg:$0x5] =	wrdreg $0x9  }
0xb2: {  	_ =	task.clear_ibuf [dreg:s7], $0x6FFFF;
	_ =	strace $0x90000046  }
0xb3: {  	s29 =	simm.s32 $0x9;
	_ =	strace $0x80000048  }
0xb4: {  	_ =	swait.ge [sflag:s29], $0x1  }
0xb5: {  	[sflag:s29] =	ssyncadd.s32 $0xFFFFFFFF  }
0xb6: {  	_ =	strace $0x90000048  }
0xb7: {  	_ =	sfence  }
0xb8: {  	s30 =	sld [smem:$0x0];
	_ =	sdelay $0x2  }
0xb9: {  	s31 =	sshll.u32 s1, $0xD;
	s1 =	sshrl.u32 s1, $0x2  }
0xba: {  	s3 =	sand.u32 $0x4000, s31;
	s1 =	sadd.s32 s1, s30  }
0xbb: {  	s0 =	sor.u32 s3, s0;
	s1 =	sshll.u32 s1, $0x11  }
0xbc: {  	s0 =	sor.u32 s1, s0  }
0xbd: {  	s0 =	sadd.s32 $0x8F2B, s0  }
0xbe: {  	[sflag:s0] =	ssyncadd.remote.s32 $0x1  }
0xbf: {  	_ =	sfence.sel $0xFFFF  }
0xc0: {  	[dreg:$0x0] =	wrdreg $0xFFFFFFFF;
	(pc) =	sbr.abs _section_cstart, $3  }
0xc1: {  	[dreg:$0x1] =	wrdreg $0xFFFFFFFF  }
0xc2: {  	_ =	task.clear_ibuf [dreg:s7], $0x2FFFF;
	_ =	strace $0x9FFFFFFF  }
0xc3: {  	(tm) =	ssettm $0x7FFFFFFF  }
tec
execute0_lowered:
.L_overlay_start_1:
0x0: {  	(tag) =	ssettag $0x1  }
0x1: {  	s6 =	rddreg [dreg:$0x0]  }
0x2: {  	s7 =	rddreg [dreg:$0x1];
	s1 =	srdreg.scid  }
0x3: {  	s0 =	stileid.u32;
	s2 =	rddreg [dreg:$0x2]  }
0x4: {  	s3 =	simm.s32 $0x0;
	s13 =	simm.s32 $0x50;
	s14 =	simm.s32 $0x20  }
0x5: {  	s15 =	simm.s32 $0x10;
	s8 =	sand.u32 $0x1, s1;
	s1 =	rddreg [dreg:$0x3]  }
0x6: {  	s16 =	simm.s32 $0x0;
	s4 =	smul.u32 $0x500, s0;
	[smem:$0x7FF] =	sst s3  }
0x7: {  	s10 =	smul.u32 $0xA00, s0;
	s12 =	sshll.u32 s0, $0xC;
	s31 =	sshll.u32 s0, $0x6  }
0x8: {  	s5 =	sshll.u32 s8, $0x7;
	_ =	strace $0x80000047;
	s26 =	ssub.s32 $0x2, s8  }
0x9: {  	s8 =	sshll.u32 s8, $0xB;
	s4 =	sor.u32 s5, s4;
	s5 =	sadd.s32 $0x1400, s7  }
0xa: {  	s11 =	sshrl.u32 s26, $0x1;
	s6 =	sadd.s32 s6, s8;
	s29 =	sshrl.u32 s10, $0x2  }
0xb: {  	s10 =	simm.s32 $0x1;
	s9 =	sshrl.u32 s4, $0x3;
	s4 =	sadd.s32 $0x1200, s7  }
0xc: {  	s28 =	ssub.s32 s26, s11;
	s6 =	sadd.s32 s12, s6;
	s30 =	sadd.s32 s29, s2  }
0xd: {  	s11 =	sor.u32 $0x1C01, s31;
	s7 =	sadd.s32 s9, s7;
	s8 =	smax.u32 s28, $0x1  }
0xe: {  	s9 =	simm.s32 $0x4000;
	s12 =	sshrl.u32 s30, $0x3;
	s7 =	sadd.s32 $0x1600, s7  }
.LBB2_1:
0xf: {  	[tilespmem:s9], [sflag:$0x1] =	stream.linear.gather [hbm4b:s4+s3], $0x80, $0x38;
	[tilespmem:$0x4300] =	vst v63  }
0x10: {  	_ =	swait.ge [sflag:s10], $0x80  }
0x11: {  	[sflag:s10] =	ssyncset.done $0x0  }
0x12: {  	[sflag:s10] =	ssyncadd.s32 $0xFFFFFF80  }
0x13: {  	[tilespmem:s3], [sflag:$0x1] =	stream.linear.gather [hbm4b:s6+s3], $0x3E80, $0x38;
	[tilespmem:$0x4300] =	vst v63  }
0x14: {  	_ =	swait.ge [sflag:s10], $0x3E80  }
0x15: {  	[sflag:s10] =	ssyncset.done $0x0  }
0x16: {  	[sflag:s10] =	ssyncadd.s32 $0xFFFFC180  }
0x17: {  	[spmem:s12], [sflag:s11] =	dma.local [hbm:s5], $0x50  }
0x18: {  	_ =	swait.ge [sflag:s10], $0x50  }
0x19: {  	[sflag:s10] =	ssyncset.done $0x0  }
0x1a: {  	[sflag:s10] =	ssyncadd.s32 $0xFFFFFFB0  }
0x1b: {  	s17 =	simm.s32 $0x0;
	[bflag:$0x0] =	sbarrier.arrive $0xFFFF  }
0x1c: {  	[spmem:s2] =	stream.indirect.scatter.add.f32 [tilespmem:s9], [sflag:$0x1], $0x1, s17, s13, $0xb8;
	[tilespmem:$0x4300] =	vst v63  }
0x1d: {  	_ =	swait.ge [sflag:s10], $0x50  }
0x1e: {  	s17 =	simm.s32 $0x200;
	[sflag:s10] =	ssyncset.done $0x0  }
.LBB2_2:
0x1f: {  	s18 =	sshra.s32 s17, $0x2;
	[sflag:s10] =	ssyncadd.s32 $0xFFFFFFB0;
	p0 =	sne.s32 s17, $0xF800  }
0x20: {  	[spmem:s2] =	stream.indirect.scatter.add.f32 [tilespmem:s9], [sflag:$0x1], $0x1, s18, s13, $0xb8;
	[tilespmem:$0x4300] =	vst v63  }
.Ltmp0:
0x21: {  	_ = 	snop;
	(pc) =	sbr.rel @p0 .LBB2_2-.Ltmp0, $4  }
0x22: {  	_ = 	snop  }
0x23: {  	s17 =	sadd.s32 $0x200, s17  }
0x24: {  	_ =	swait.ge [sflag:s10], $0x50  }
0x25: {  	[sflag:s10] =	ssyncset.done $0x0  }
0x26: {  	s16 =	sadd.s32 $0x1, s16  }
0x27: {  	[sflag:s10] =	ssyncadd.s32 $0xFFFFFFB0;
	p0 =	sne.s32 s16, s8  }
.Ltmp1:
0x28: {  	[bflag:$0x0] =	sbarrier.arrive $0xFFFF;
	(pc) =	sbr.rel @p0 .LBB2_1-.Ltmp1, $4  }
0x29: {  	[hbm:s7@s14], [sflag:s11] =	dma.strided [spmem:s12@s15], $0x50, s10, $0x10   }
0x2a: {  	_ =	swait.ge [sflag:s10], $0x50  }
0x2b: {  	[sflag:s10] =	ssyncset.done $0x0  }
0x2c: {  	[sflag:s10] =	ssyncadd.s32 $0xFFFFFFB0  }
0x2d: {  	_ =	sfence.sel $0x180000  }
0x2e: {  	[bflag:$0x0] =	sbarrier.arrive $0xFFFF  }
0x2f: {  	p0 =	sne.s32 s0, $0x0;
	_ =	strace $0x90000047  }
0x30: {  	s0 =	sadd.s32 @!p0 $0x100000, s1;
	[bflag:$0x2] =	sbarrier.arrive $0xFFFF  }
0x31: {  	[sflag:s0] =	ssyncadd.tile.s32 @!p0 $0x1;
	_ =	shalt  }
.Lfunc_end2:
_tile_overlayer_lowered:
.L_overlay_start_2:
0x32: {  	(tag) =	ssettag $0x2  }
0x33: {  	s0 =	rddreg [dreg:$0x0];
	s2 =	stileid.u32  }
0x34: {  	s1 =	rddreg [dreg:$0x1];
	p0 =	sne.s32 s2, $0x0  }
0x35: {  	s3 =	rddreg [dreg:$0x2];
	[bflag:$0x3] =	sbarrier.arrive $0xFFFF;
	s2 =	simm.s32 @!p0 $0x1C01  }
0x36: {  	[timem:s3], [sflag:s2] =	dma.local @!p0 [hbm:s0], s1  }
0x37: {  	s0 =	simm.s32 @!p0 $0x1  }
0x38: {  	_ =	swait.ge @!p0 [sflag:s0], s1  }
0x39: {  	s1 =	ssub.s32 @!p0 $0x0, s1;
	[sflag:s0] =	ssyncset.done @!p0 $0x0  }
0x3a: {  	[sflag:s0] =	ssyncadd.s32 @!p0 s1  }
0x3b: {  	[bflag:$0x3] =	sbarrier.arrive $0xFFFF  }
0x3c: {  	_ =	shalt  }

</sc_bundles>
